<compile_context>
chip_gen: v7x
topology: tpu7x:2x2x1
jax: 0.10.2.dev20260603
libtpu: 0.0.44.dev20260713+nightly
codegen_flags: <defaults>
</compile_context>

<pallas_src>
import dataclasses

import jax
import jax.numpy as jnp
from jax import lax
from jax.experimental import pallas as pl
from jax.experimental.pallas import tpu as pltpu
from jax.experimental.pallas import tpu_sc as plsc

N_NODES = 10000
N_EDGES = 320000
D_FEAT = 128
L = 16
NW = 32
EPW = N_EDGES // NW
G = 80
NCHUNK = EPW // G
NBUF = 4


def _sc_body(nf_hbm, src_hbm, dst_hbm, out_hbm,
             src_idx, dst_idx, src_rows, dst_rows, psum, out_v, table_sp,
             sem_stage,
             sem_s0, sem_s1, sem_s2, sem_s3, sem_d0, sem_d1, sem_d2, sem_d3):
    sem_s = (sem_s0, sem_s1, sem_s2, sem_s3)
    sem_d = (sem_d0, sem_d1, sem_d2, sem_d3)
    sid = lax.axis_index("s")
    wid = sid * 2 + lax.axis_index("c")
    base = wid * EPW

    rows_per_tile = N_NODES // 16
    stage = pltpu.async_copy(nf_hbm.at[pl.ds(sid * rows_per_tile, rows_per_tile)],
                             table_sp.at[pl.ds(sid * rows_per_tile, rows_per_tile)],
                             sem_stage)
    pltpu.sync_copy(src_hbm.at[pl.ds(base, EPW)], src_idx)
    pltpu.sync_copy(dst_hbm.at[pl.ds(base, EPW)], dst_idx)
    stage.wait()
    plsc.subcore_barrier()

    def start_gathers(chunk, b):
        off = pl.multiple_of(chunk * G, 8)
        pltpu.async_copy(table_sp.at[src_idx.at[pl.ds(off, G)]], src_rows[b], sem_s[b])
        pltpu.async_copy(table_sp.at[dst_idx.at[pl.ds(off, G)]], dst_rows[b], sem_d[b])

    def wait_gathers(b):
        pltpu.make_async_copy(table_sp.at[src_idx.at[pl.ds(0, G)]], src_rows[b], sem_s[b]).wait()
        pltpu.make_async_copy(table_sp.at[dst_idx.at[pl.ds(0, G)]], dst_rows[b], sem_d[b]).wait()

    def compute(chunk, b):
        sr, dr = src_rows[b], dst_rows[b]

        @plsc.parallel_loop(0, G, step=1, unroll=4)
        def _edge(e):
            acc_bf = None
            for j in range(D_FEAT // (2 * L)):
                s_bf = plsc.bitcast(sr[e, pl.ds(j * L, L)], jnp.bfloat16)
                d_bf = plsc.bitcast(dr[e, pl.ds(j * L, L)], jnp.bfloat16)
                p = s_bf * d_bf
                acc_bf = p if acc_bf is None else acc_bf + p
            pa, pb = plsc.unpack(acc_bf, format=plsc.PackFormat.INTERLEAVED)
            psum[e, pl.ds(0, L)] = plsc.cumsum(pa + pb)

        out_base = pl.multiple_of(chunk * G, 8)

        @plsc.parallel_loop(0, G // L, step=1, unroll=5)
        def _group(q):
            rows = q * L + lax.iota(jnp.int32, L)
            tot = plsc.load_gather(psum, [rows, jnp.full((L,), L - 1, jnp.int32)])
            out_v[pl.ds(out_base + q * L, L)] = tot

    for b in range(NBUF):
        start_gathers(b, b)

    main_end = NCHUNK - (NCHUNK % NBUF)

    @pl.loop(0, main_end, step=NBUF)
    def _main(g):
        for b in range(NBUF):
            chunk = g + b
            wait_gathers(b)
            compute(chunk, b)
            nxt = chunk + NBUF

            @pl.when(nxt < NCHUNK)
            def _():
                start_gathers(nxt, b)

    for r in range(main_end, NCHUNK):
        wait_gathers(r % NBUF)
        compute(r, r % NBUF)

    pltpu.sync_copy(out_v, out_hbm.at[pl.ds(base, EPW)])


def kernel(node_feature, edge_src, edge_dst):
    mesh = plsc.VectorSubcoreMesh(core_axis_name="c", subcore_axis_name="s")
    cp = pltpu.CompilerParams()
    for fld, val in (("needs_layout_passes", False), ("use_tc_tiling_on_sc", False)):
        if fld in pltpu.CompilerParams.__dataclass_fields__:
            cp = dataclasses.replace(cp, **{fld: val})
    run = pl.kernel(
        _sc_body,
        mesh=mesh,
        compiler_params=cp,
        out_type=jax.ShapeDtypeStruct((N_EDGES,), jnp.float32),
        scratch_types=[
            pltpu.VMEM((EPW,), jnp.int32),
            pltpu.VMEM((EPW,), jnp.int32),
            [pltpu.VMEM((G, D_FEAT // 2), jnp.int32) for _ in range(NBUF)],
            [pltpu.VMEM((G, D_FEAT // 2), jnp.int32) for _ in range(NBUF)],
            pltpu.VMEM((G, L + 1), jnp.float32),
            pltpu.VMEM((EPW,), jnp.float32),
            pltpu.VMEM_SHARED((N_NODES, D_FEAT // 2), jnp.int32),
        ] + [pltpu.SemaphoreType.DMA] * (1 + 2 * NBUF),
    )
    nf_packed = jax.lax.bitcast_convert_type(
        node_feature.astype(jnp.bfloat16).reshape(N_NODES, D_FEAT // 2, 2),
        jnp.int32)
    return run(nf_packed, edge_src, edge_dst).reshape(N_EDGES, 1)

# --- scband reference (transcript-rebuilt; emitter-appended) ---
"""Pipeline reference for scband-dot-product-incident-12429635354785 (READ-ONLY COPY).

The authoritative reference and input builder live on the scoring server;
editing this copy changes nothing except your own understanding.
"""

import jax, jax.numpy as jnp
import numpy as np

N_NODES = 10000
N_EDGES = 320000
D_FEAT = 128


def setup_inputs(seed: int = 0) -> dict:
    key = jax.random.key(seed)
    k1, k2, k3 = jax.random.split(key, 3)
    node_feature = jax.random.normal(k1, (N_NODES, D_FEAT), dtype=jnp.float32)
    edge_src = jax.random.randint(k2, (N_EDGES,), 0, N_NODES, dtype=jnp.int32)
    edge_dst = jax.random.randint(k3, (N_EDGES,), 0, N_NODES, dtype=jnp.int32)
    return {"node_feature": node_feature, "edge_src": edge_src, "edge_dst": edge_dst}


def reference(node_feature, edge_src, edge_dst):
    # Gather incident node features per edge (SparseCore-friendly gathers).
    node_feature_src = jnp.take(node_feature, edge_src, axis=0)
    node_feature_dst = jnp.take(node_feature, edge_dst, axis=0)
    # keras.layers.Dot(axes=1, normalize=False): batched dot product over axis 1,
    # output shape (E, 1).
    edge_score = jnp.sum(node_feature_src * node_feature_dst, axis=1, keepdims=True)
    return edge_score

if __name__ == "__main__":
    import jax
    _d = setup_inputs()
    print(jax.jit(kernel)(*tuple(_d.values())))

</pallas_src>

<mosaic_0001>
#map = affine_map<(d0, d1) -> (0, 0)>
#map1 = affine_map<(d0, d1) -> (0)>
module attributes {stable_mosaic.version = 14 : i64} {
  func.func @_sc_body(%arg0: i32, %arg1: i32, %arg2: memref<10000x64xi32, #tpu.memory_space<hbm>>, %arg3: memref<320000xi32, #tpu.memory_space<hbm>>, %arg4: memref<320000xi32, #tpu.memory_space<hbm>>, %arg5: memref<320000xf32, #tpu.memory_space<hbm>>, %arg6: memref<10000xi32, #tpu.memory_space<vmem>>, %arg7: memref<10000xi32, #tpu.memory_space<vmem>>, %arg8: memref<80x64xi32, #tpu.memory_space<vmem>>, %arg9: memref<80x64xi32, #tpu.memory_space<vmem>>, %arg10: memref<80x64xi32, #tpu.memory_space<vmem>>, %arg11: memref<80x64xi32, #tpu.memory_space<vmem>>, %arg12: memref<80x64xi32, #tpu.memory_space<vmem>>, %arg13: memref<80x64xi32, #tpu.memory_space<vmem>>, %arg14: memref<80x64xi32, #tpu.memory_space<vmem>>, %arg15: memref<80x64xi32, #tpu.memory_space<vmem>>, %arg16: memref<80x17xf32, #tpu.memory_space<vmem>>, %arg17: memref<10000xf32, #tpu.memory_space<vmem>>, %arg18: memref<10000x64xi32, #tpu.memory_space<vmem_shared>>, %arg19: memref<!tpu.dma_semaphore, #tpu.memory_space<semaphore_mem>>, %arg20: memref<!tpu.dma_semaphore, #tpu.memory_space<semaphore_mem>>, %arg21: memref<!tpu.dma_semaphore, #tpu.memory_space<semaphore_mem>>, %arg22: memref<!tpu.dma_semaphore, #tpu.memory_space<semaphore_mem>>, %arg23: memref<!tpu.dma_semaphore, #tpu.memory_space<semaphore_mem>>, %arg24: memref<!tpu.dma_semaphore, #tpu.memory_space<semaphore_mem>>, %arg25: memref<!tpu.dma_semaphore, #tpu.memory_space<semaphore_mem>>, %arg26: memref<!tpu.dma_semaphore, #tpu.memory_space<semaphore_mem>>, %arg27: memref<!tpu.dma_semaphore, #tpu.memory_space<semaphore_mem>>) attributes {dimension_semantics = [#tpu.dimension_semantics<core_parallel>, #tpu.dimension_semantics<subcore_parallel>], iteration_bounds = array<i64: 2, 16>, scalar_prefetch = 0 : i64, scratch_operands = 22 : i64, tpu.core_type = #tpu.core_type<sc_vector_subcore>, window_params = [{transform_indices = #map}, {transform_indices = #map1}, {transform_indices = #map1}, {transform_indices = #map1}]} {
    %mul3A = arith.constant 2 : i32
    %mul3A_0 = arith.muli %arg1, %mul3A : i32
    %add3A = arith.addi %mul3A_0, %arg0 : i32
    %mul3A_1 = arith.constant 10000 : i32
    %mul3A_2 = arith.muli %add3A, %mul3A_1 : i32
    %mul3A_3 = arith.constant 625 : i32
    %mul3A_4 = arith.muli %arg1, %mul3A_3 : i32
    %mul3A_5 = arith.constant 625 : i32
    %mul3A_6 = arith.muli %arg1, %mul3A_5 : i32
    %dma_start3A = arith.constant 0 : i32
    %dma_start3A_7 = tpu.memref_slice %arg18[%mul3A_6, %dma_start3A] : memref<10000x64xi32, #tpu.memory_space<vmem_shared>> -> memref<625x64xi32, #tpu.memory_space<vmem_shared>>
    %dma_start3A_8 = arith.constant 0 : i32
    %dma_start3A_9 = tpu.memref_slice %arg2[%mul3A_4, %dma_start3A_8] : memref<10000x64xi32, #tpu.memory_space<hbm>> -> memref<625x64xi32, #tpu.memory_space<hbm>>
    tpu.enqueue_dma source(%dma_start3A_9 : memref<625x64xi32, #tpu.memory_space<hbm>>) target(%dma_start3A_7 : memref<625x64xi32, #tpu.memory_space<vmem_shared>>) target_semaphore(%arg19 : memref<!tpu.dma_semaphore, #tpu.memory_space<semaphore_mem>>)
    "tpu.region"() ({
      %run_scoped3A = tpu.sem_alloc : memref<!tpu.dma_semaphore, #tpu.memory_space<semaphore_mem>>
      %dma_start3A_73 = tpu.memref_slice %arg3[%mul3A_2] : memref<320000xi32, #tpu.memory_space<hbm>> -> memref<10000xi32, #tpu.memory_space<hbm>>
      %dma_start3A_74 = tpu.memref_slice %arg3[%mul3A_2] : memref<320000xi32, #tpu.memory_space<hbm>> -> memref<10000xi32, #tpu.memory_space<hbm>>
      tpu.enqueue_dma source(%dma_start3A_74 : memref<10000xi32, #tpu.memory_space<hbm>>) target(%arg6 : memref<10000xi32, #tpu.memory_space<vmem>>) target_semaphore(%run_scoped3A : memref<!tpu.dma_semaphore, #tpu.memory_space<semaphore_mem>>)
      %dma_wait3A_75 = tpu.memref_slice %arg3[%mul3A_2] : memref<320000xi32, #tpu.memory_space<hbm>> -> memref<10000xi32, #tpu.memory_space<hbm>>
      %dma_wait3A_76 = tpu.memref_slice %arg3[%mul3A_2] : memref<320000xi32, #tpu.memory_space<hbm>> -> memref<10000xi32, #tpu.memory_space<hbm>>
      tpu.wait_dma2 semaphore(%run_scoped3A : memref<!tpu.dma_semaphore, #tpu.memory_space<semaphore_mem>>) src(%dma_wait3A_76 : memref<10000xi32, #tpu.memory_space<hbm>>) dst(%arg6 : memref<10000xi32, #tpu.memory_space<vmem>>)
      tpu.yield
    }) : () -> ()
    "tpu.region"() ({
      %run_scoped3A = tpu.sem_alloc : memref<!tpu.dma_semaphore, #tpu.memory_space<semaphore_mem>>
      %dma_start3A_73 = tpu.memref_slice %arg4[%mul3A_2] : memref<320000xi32, #tpu.memory_space<hbm>> -> memref<10000xi32, #tpu.memory_space<hbm>>
      %dma_start3A_74 = tpu.memref_slice %arg4[%mul3A_2] : memref<320000xi32, #tpu.memory_space<hbm>> -> memref<10000xi32, #tpu.memory_space<hbm>>
      tpu.enqueue_dma source(%dma_start3A_74 : memref<10000xi32, #tpu.memory_space<hbm>>) target(%arg7 : memref<10000xi32, #tpu.memory_space<vmem>>) target_semaphore(%run_scoped3A : memref<!tpu.dma_semaphore, #tpu.memory_space<semaphore_mem>>)
      %dma_wait3A_75 = tpu.memref_slice %arg4[%mul3A_2] : memref<320000xi32, #tpu.memory_space<hbm>> -> memref<10000xi32, #tpu.memory_space<hbm>>
      %dma_wait3A_76 = tpu.memref_slice %arg4[%mul3A_2] : memref<320000xi32, #tpu.memory_space<hbm>> -> memref<10000xi32, #tpu.memory_space<hbm>>
      tpu.wait_dma2 semaphore(%run_scoped3A : memref<!tpu.dma_semaphore, #tpu.memory_space<semaphore_mem>>) src(%dma_wait3A_76 : memref<10000xi32, #tpu.memory_space<hbm>>) dst(%arg7 : memref<10000xi32, #tpu.memory_space<vmem>>)
      tpu.yield
    }) : () -> ()
    %dma_wait3A = arith.constant 0 : i32
    %dma_wait3A_10 = tpu.memref_slice %arg18[%mul3A_6, %dma_wait3A] : memref<10000x64xi32, #tpu.memory_space<vmem_shared>> -> memref<625x64xi32, #tpu.memory_space<vmem_shared>>
    %dma_wait3A_11 = arith.constant 0 : i32
    %dma_wait3A_12 = tpu.memref_slice %arg2[%mul3A_4, %dma_wait3A_11] : memref<10000x64xi32, #tpu.memory_space<hbm>> -> memref<625x64xi32, #tpu.memory_space<hbm>>
    tpu.wait_dma2 semaphore(%arg19 : memref<!tpu.dma_semaphore, #tpu.memory_space<semaphore_mem>>) src(%dma_wait3A_12 : memref<625x64xi32, #tpu.memory_space<hbm>>) dst(%dma_wait3A_10 : memref<625x64xi32, #tpu.memory_space<vmem_shared>>)
    %barrier3A = arith.constant 0 : index
    tpu.barrier barrier_id(%barrier3A)
    %multiple_of3A = arith.constant 0 : i32
    %multiple_of3A_13 = tpu.assume_multiple %multiple_of3A, 8 : i32
    %dma_start3A_14 = tpu.memref_slice %arg6[%multiple_of3A_13] : memref<10000xi32, #tpu.memory_space<vmem>> -> memref<80xi32, #tpu.memory_space<vmem>>
    %dma_start3A_15 = arith.constant 0 : i32
    %dma_start3A_16 = arith.constant 0 : i32
    %dma_start3A_17 = tpu.memref_slice %arg18[%dma_start3A_15, %dma_start3A_16] : memref<10000x64xi32, #tpu.memory_space<vmem_shared>> -> memref<10000x64xi32, #tpu.memory_space<vmem_shared>>
    tpu.enqueue_indirect_dma source(%dma_start3A_17 : memref<10000x64xi32, #tpu.memory_space<vmem_shared>>) target(%arg8 : memref<80x64xi32, #tpu.memory_space<vmem>>) offsets(%dma_start3A_14 : memref<80xi32, #tpu.memory_space<vmem>>) semaphore(%arg20 : memref<!tpu.dma_semaphore, #tpu.memory_space<semaphore_mem>>)
    %dma_start3A_18 = tpu.memref_slice %arg7[%multiple_of3A_13] : memref<10000xi32, #tpu.memory_space<vmem>> -> memref<80xi32, #tpu.memory_space<vmem>>
    %dma_start3A_19 = arith.constant 0 : i32
    %dma_start3A_20 = arith.constant 0 : i32
    %dma_start3A_21 = tpu.memref_slice %arg18[%dma_start3A_19, %dma_start3A_20] : memref<10000x64xi32, #tpu.memory_space<vmem_shared>> -> memref<10000x64xi32, #tpu.memory_space<vmem_shared>>
    tpu.enqueue_indirect_dma source(%dma_start3A_21 : memref<10000x64xi32, #tpu.memory_space<vmem_shared>>) target(%arg12 : memref<80x64xi32, #tpu.memory_space<vmem>>) offsets(%dma_start3A_18 : memref<80xi32, #tpu.memory_space<vmem>>) semaphore(%arg24 : memref<!tpu.dma_semaphore, #tpu.memory_space<semaphore_mem>>)
    %multiple_of3A_22 = arith.constant 80 : i32
    %multiple_of3A_23 = tpu.assume_multiple %multiple_of3A_22, 8 : i32
    %dma_start3A_24 = tpu.memref_slice %arg6[%multiple_of3A_23] : memref<10000xi32, #tpu.memory_space<vmem>> -> memref<80xi32, #tpu.memory_space<vmem>>
    %dma_start3A_25 = arith.constant 0 : i32
    %dma_start3A_26 = arith.constant 0 : i32
    %dma_start3A_27 = tpu.memref_slice %arg18[%dma_start3A_25, %dma_start3A_26] : memref<10000x64xi32, #tpu.memory_space<vmem_shared>> -> memref<10000x64xi32, #tpu.memory_space<vmem_shared>>
    tpu.enqueue_indirect_dma source(%dma_start3A_27 : memref<10000x64xi32, #tpu.memory_space<vmem_shared>>) target(%arg9 : memref<80x64xi32, #tpu.memory_space<vmem>>) offsets(%dma_start3A_24 : memref<80xi32, #tpu.memory_space<vmem>>) semaphore(%arg21 : memref<!tpu.dma_semaphore, #tpu.memory_space<semaphore_mem>>)
    %dma_start3A_28 = tpu.memref_slice %arg7[%multiple_of3A_23] : memref<10000xi32, #tpu.memory_space<vmem>> -> memref<80xi32, #tpu.memory_space<vmem>>
    %dma_start3A_29 = arith.constant 0 : i32
    %dma_start3A_30 = arith.constant 0 : i32
    %dma_start3A_31 = tpu.memref_slice %arg18[%dma_start3A_29, %dma_start3A_30] : memref<10000x64xi32, #tpu.memory_space<vmem_shared>> -> memref<10000x64xi32, #tpu.memory_space<vmem_shared>>
    tpu.enqueue_indirect_dma source(%dma_start3A_31 : memref<10000x64xi32, #tpu.memory_space<vmem_shared>>) target(%arg13 : memref<80x64xi32, #tpu.memory_space<vmem>>) offsets(%dma_start3A_28 : memref<80xi32, #tpu.memory_space<vmem>>) semaphore(%arg25 : memref<!tpu.dma_semaphore, #tpu.memory_space<semaphore_mem>>)
    %multiple_of3A_32 = arith.constant 160 : i32
    %multiple_of3A_33 = tpu.assume_multiple %multiple_of3A_32, 8 : i32
    %dma_start3A_34 = tpu.memref_slice %arg6[%multiple_of3A_33] : memref<10000xi32, #tpu.memory_space<vmem>> -> memref<80xi32, #tpu.memory_space<vmem>>
    %dma_start3A_35 = arith.constant 0 : i32
    %dma_start3A_36 = arith.constant 0 : i32
    %dma_start3A_37 = tpu.memref_slice %arg18[%dma_start3A_35, %dma_start3A_36] : memref<10000x64xi32, #tpu.memory_space<vmem_shared>> -> memref<10000x64xi32, #tpu.memory_space<vmem_shared>>
    tpu.enqueue_indirect_dma source(%dma_start3A_37 : memref<10000x64xi32, #tpu.memory_space<vmem_shared>>) target(%arg10 : memref<80x64xi32, #tpu.memory_space<vmem>>) offsets(%dma_start3A_34 : memref<80xi32, #tpu.memory_space<vmem>>) semaphore(%arg22 : memref<!tpu.dma_semaphore, #tpu.memory_space<semaphore_mem>>)
    %dma_start3A_38 = tpu.memref_slice %arg7[%multiple_of3A_33] : memref<10000xi32, #tpu.memory_space<vmem>> -> memref<80xi32, #tpu.memory_space<vmem>>
    %dma_start3A_39 = arith.constant 0 : i32
    %dma_start3A_40 = arith.constant 0 : i32
    %dma_start3A_41 = tpu.memref_slice %arg18[%dma_start3A_39, %dma_start3A_40] : memref<10000x64xi32, #tpu.memory_space<vmem_shared>> -> memref<10000x64xi32, #tpu.memory_space<vmem_shared>>
    tpu.enqueue_indirect_dma source(%dma_start3A_41 : memref<10000x64xi32, #tpu.memory_space<vmem_shared>>) target(%arg14 : memref<80x64xi32, #tpu.memory_space<vmem>>) offsets(%dma_start3A_38 : memref<80xi32, #tpu.memory_space<vmem>>) semaphore(%arg26 : memref<!tpu.dma_semaphore, #tpu.memory_space<semaphore_mem>>)
    %multiple_of3A_42 = arith.constant 240 : i32
    %multiple_of3A_43 = tpu.assume_multiple %multiple_of3A_42, 8 : i32
    %dma_start3A_44 = tpu.memref_slice %arg6[%multiple_of3A_43] : memref<10000xi32, #tpu.memory_space<vmem>> -> memref<80xi32, #tpu.memory_space<vmem>>
    %dma_start3A_45 = arith.constant 0 : i32
    %dma_start3A_46 = arith.constant 0 : i32
    %dma_start3A_47 = tpu.memref_slice %arg18[%dma_start3A_45, %dma_start3A_46] : memref<10000x64xi32, #tpu.memory_space<vmem_shared>> -> memref<10000x64xi32, #tpu.memory_space<vmem_shared>>
    tpu.enqueue_indirect_dma source(%dma_start3A_47 : memref<10000x64xi32, #tpu.memory_space<vmem_shared>>) target(%arg11 : memref<80x64xi32, #tpu.memory_space<vmem>>) offsets(%dma_start3A_44 : memref<80xi32, #tpu.memory_space<vmem>>) semaphore(%arg23 : memref<!tpu.dma_semaphore, #tpu.memory_space<semaphore_mem>>)
    %dma_start3A_48 = tpu.memref_slice %arg7[%multiple_of3A_43] : memref<10000xi32, #tpu.memory_space<vmem>> -> memref<80xi32, #tpu.memory_space<vmem>>
    %dma_start3A_49 = arith.constant 0 : i32
    %dma_start3A_50 = arith.constant 0 : i32
    %dma_start3A_51 = tpu.memref_slice %arg18[%dma_start3A_49, %dma_start3A_50] : memref<10000x64xi32, #tpu.memory_space<vmem_shared>> -> memref<10000x64xi32, #tpu.memory_space<vmem_shared>>
    tpu.enqueue_indirect_dma source(%dma_start3A_51 : memref<10000x64xi32, #tpu.memory_space<vmem_shared>>) target(%arg15 : memref<80x64xi32, #tpu.memory_space<vmem>>) offsets(%dma_start3A_48 : memref<80xi32, #tpu.memory_space<vmem>>) semaphore(%arg27 : memref<!tpu.dma_semaphore, #tpu.memory_space<semaphore_mem>>)
    %scan3A = arith.constant 0 : i32
    %scan3A_52 = arith.constant 31 : i32
    %scan3A_53 = arith.addi %scan3A, %scan3A_52 : i32
    %scan3A_54 = arith.constant 1 : i32
    scf.for %scan3A_73 = %scan3A to %scan3A_53 step %scan3A_54  : i32 {
      %mul3A_74 = arith.constant 4 : i32
      %mul3A_75 = arith.muli %scan3A_73, %mul3A_74 : i32
      %add3A_76 = arith.constant 0 : i32
      %add3A_77 = arith.addi %add3A_76, %mul3A_75 : i32
      %add3A_78 = arith.constant 0 : i32
      %add3A_79 = arith.addi %add3A_77, %add3A_78 : i32
      %dma_wait3A_80 = arith.constant 0 : i32
      %dma_wait3A_81 = tpu.memref_slice %arg6[%dma_wait3A_80] : memref<10000xi32, #tpu.memory_space<vmem>> -> memref<80xi32, #tpu.memory_space<vmem>>
      %dma_wait3A_82 = arith.constant 0 : i32
      %dma_wait3A_83 = arith.constant 0 : i32
      %dma_wait3A_84 = tpu.memref_slice %arg18[%dma_wait3A_82, %dma_wait3A_83] : memref<10000x64xi32, #tpu.memory_space<vmem_shared>> -> memref<10000x64xi32, #tpu.memory_space<vmem_shared>>
      tpu.wait_indirect_dma semaphore(%arg20 : memref<!tpu.dma_semaphore, #tpu.memory_space<semaphore_mem>>) src(%dma_wait3A_84 : memref<10000x64xi32, #tpu.memory_space<vmem_shared>>) dst(%arg8 : memref<80x64xi32, #tpu.memory_space<vmem>>)
      %dma_wait3A_85 = arith.constant 0 : i32
      %dma_wait3A_86 = tpu.memref_slice %arg7[%dma_wait3A_85] : memref<10000xi32, #tpu.memory_space<vmem>> -> memref<80xi32, #tpu.memory_space<vmem>>
      %dma_wait3A_87 = arith.constant 0 : i32
      %dma_wait3A_88 = arith.constant 0 : i32
      %dma_wait3A_89 = tpu.memref_slice %arg18[%dma_wait3A_87, %dma_wait3A_88] : memref<10000x64xi32, #tpu.memory_space<vmem_shared>> -> memref<10000x64xi32, #tpu.memory_space<vmem_shared>>
      tpu.wait_indirect_dma semaphore(%arg24 : memref<!tpu.dma_semaphore, #tpu.memory_space<semaphore_mem>>) src(%dma_wait3A_89 : memref<10000x64xi32, #tpu.memory_space<vmem_shared>>) dst(%arg12 : memref<80x64xi32, #tpu.memory_space<vmem>>)
      %parallel_loop3A_90 = arith.constant 0 : i32
      %parallel_loop3A_91 = arith.constant 80 : i32
      %parallel_loop3A_92 = arith.constant 1 : i32
      scf.for %parallel_loop3A_187 = %parallel_loop3A_90 to %parallel_loop3A_91 step %parallel_loop3A_92  : i32 {
        %parallel_loop3A_188 = arith.index_cast %parallel_loop3A_187 : i32 to index
        %parallel_loop3A_189 = arith.constant 0 : index
        %parallel_loop3A_190 = tpu.vector_load %arg8[%parallel_loop3A_188, %parallel_loop3A_189] {strides = array<i32>} : memref<80x64xi32, #tpu.memory_space<vmem>>, vector<16xi32>,
        %parallel_loop3A_191 = vector.bitcast %parallel_loop3A_190 : vector<16xi32> to vector<32xbf16>
        %parallel_loop3A_192 = arith.index_cast %parallel_loop3A_187 : i32 to index
        %parallel_loop3A_193 = arith.constant 0 : index
        %parallel_loop3A_194 = tpu.vector_load %arg12[%parallel_loop3A_192, %parallel_loop3A_193] {strides = array<i32>} : memref<80x64xi32, #tpu.memory_space<vmem>>, vector<16xi32>,
        %parallel_loop3A_195 = vector.bitcast %parallel_loop3A_194 : vector<16xi32> to vector<32xbf16>
        %parallel_loop3A_196 = arith.mulf %parallel_loop3A_191, %parallel_loop3A_195 : vector<32xbf16>
        %parallel_loop3A_197 = arith.index_cast %parallel_loop3A_187 : i32 to index
        %parallel_loop3A_198 = arith.constant 16 : index
        %parallel_loop3A_199 = tpu.vector_load %arg8[%parallel_loop3A_197, %parallel_loop3A_198] {strides = array<i32>} : memref<80x64xi32, #tpu.memory_space<vmem>>, vector<16xi32>,
        %parallel_loop3A_200 = vector.bitcast %parallel_loop3A_199 : vector<16xi32> to vector<32xbf16>
        %parallel_loop3A_201 = arith.index_cast %parallel_loop3A_187 : i32 to index
        %parallel_loop3A_202 = arith.constant 16 : index
        %parallel_loop3A_203 = tpu.vector_load %arg12[%parallel_loop3A_201, %parallel_loop3A_202] {strides = array<i32>} : memref<80x64xi32, #tpu.memory_space<vmem>>, vector<16xi32>,
        %parallel_loop3A_204 = vector.bitcast %parallel_loop3A_203 : vector<16xi32> to vector<32xbf16>
        %parallel_loop3A_205 = arith.mulf %parallel_loop3A_200, %parallel_loop3A_204 : vector<32xbf16>
        %parallel_loop3A_206 = arith.addf %parallel_loop3A_196, %parallel_loop3A_205 : vector<32xbf16>
        %parallel_loop3A_207 = arith.index_cast %parallel_loop3A_187 : i32 to index
        %parallel_loop3A_208 = arith.constant 32 : index
        %parallel_loop3A_209 = tpu.vector_load %arg8[%parallel_loop3A_207, %parallel_loop3A_208] {strides = array<i32>} : memref<80x64xi32, #tpu.memory_space<vmem>>, vector<16xi32>,
        %parallel_loop3A_210 = vector.bitcast %parallel_loop3A_209 : vector<16xi32> to vector<32xbf16>
        %parallel_loop3A_211 = arith.index_cast %parallel_loop3A_187 : i32 to index
        %parallel_loop3A_212 = arith.constant 32 : index
        %parallel_loop3A_213 = tpu.vector_load %arg12[%parallel_loop3A_211, %parallel_loop3A_212] {strides = array<i32>} : memref<80x64xi32, #tpu.memory_space<vmem>>, vector<16xi32>,
        %parallel_loop3A_214 = vector.bitcast %parallel_loop3A_213 : vector<16xi32> to vector<32xbf16>
        %parallel_loop3A_215 = arith.mulf %parallel_loop3A_210, %parallel_loop3A_214 : vector<32xbf16>
        %parallel_loop3A_216 = arith.addf %parallel_loop3A_206, %parallel_loop3A_215 : vector<32xbf16>
        %parallel_loop3A_217 = arith.index_cast %parallel_loop3A_187 : i32 to index
        %parallel_loop3A_218 = arith.constant 48 : index
        %parallel_loop3A_219 = tpu.vector_load %arg8[%parallel_loop3A_217, %parallel_loop3A_218] {strides = array<i32>} : memref<80x64xi32, #tpu.memory_space<vmem>>, vector<16xi32>,
        %parallel_loop3A_220 = vector.bitcast %parallel_loop3A_219 : vector<16xi32> to vector<32xbf16>
        %parallel_loop3A_221 = arith.index_cast %parallel_loop3A_187 : i32 to index
        %parallel_loop3A_222 = arith.constant 48 : index
        %parallel_loop3A_223 = tpu.vector_load %arg12[%parallel_loop3A_221, %parallel_loop3A_222] {strides = array<i32>} : memref<80x64xi32, #tpu.memory_space<vmem>>, vector<16xi32>,
        %parallel_loop3A_224 = vector.bitcast %parallel_loop3A_223 : vector<16xi32> to vector<32xbf16>
        %parallel_loop3A_225 = arith.mulf %parallel_loop3A_220, %parallel_loop3A_224 : vector<32xbf16>
        %parallel_loop3A_226 = arith.addf %parallel_loop3A_216, %parallel_loop3A_225 : vector<32xbf16>
        %parallel_loop3A_227 = tpu.unpack_subelements %parallel_loop3A_226, 0 {pack_format = #tpu.pack_format<interleaved>} : vector<32xbf16> -> vector<16xf32>
        %parallel_loop3A_228 = tpu.unpack_subelements %parallel_loop3A_226, 1 {pack_format = #tpu.pack_format<interleaved>} : vector<32xbf16> -> vector<16xf32>
        %parallel_loop3A_229 = arith.addf %parallel_loop3A_227, %parallel_loop3A_228 : vector<16xf32>
        %parallel_loop3A_230 = arith.constant true
        %parallel_loop3A_231 = vector.broadcast %parallel_loop3A_230 : i1 to vector<16xi1>
        %parallel_loop3A_232 = tpu.scan <sum>, %parallel_loop3A_229 masked %parallel_loop3A_231 : vector<16xf32>, vector<16xi1> -> vector<16xf32>
        %parallel_loop3A_233 = arith.index_cast %parallel_loop3A_187 : i32 to index
        %parallel_loop3A_234 = arith.constant 0 : index
        %parallel_loop3A_235 = tpu.vector_load %arg16[%parallel_loop3A_233, %parallel_loop3A_234] {strides = array<i32>} : memref<80x17xf32, #tpu.memory_space<vmem>>, vector<16xf32>,
        tpu.vector_store %arg16[%parallel_loop3A_233, %parallel_loop3A_234], %parallel_loop3A_232 {strides = array<i32>} : memref<80x17xf32, #tpu.memory_space<vmem>>, vector<16xf32>,
      } {sc.loop_unroll_factor = 4 : i64, sc.parallel_access}
      %mul3A_93 = arith.constant 80 : i32
      %mul3A_94 = arith.muli %add3A_79, %mul3A_93 : i32
      %multiple_of3A_95 = tpu.assume_multiple %mul3A_94, 8 : i32
      %parallel_loop3A_96 = arith.constant 0 : i32
      %parallel_loop3A_97 = arith.constant 5 : i32
      %parallel_loop3A_98 = arith.constant 1 : i32
      scf.for %parallel_loop3A_187 = %parallel_loop3A_96 to %parallel_loop3A_97 step %parallel_loop3A_98  : i32 {
        %parallel_loop3A_188 = arith.constant 16 : i32
        %parallel_loop3A_189 = arith.muli %parallel_loop3A_187, %parallel_loop3A_188 : i32
        %parallel_loop3A_190 = tpu.iota {dimensions = array<i32: 0>} : vector<16xi32>
        %parallel_loop3A_191 = vector.broadcast %parallel_loop3A_189 : i32 to vector<16xi32>
        %parallel_loop3A_192 = arith.addi %parallel_loop3A_191, %parallel_loop3A_190 : vector<16xi32>
        %parallel_loop3A_193 = arith.constant 15 : i32
        %parallel_loop3A_194 = vector.broadcast %parallel_loop3A_193 : i32 to vector<16xi32>
        %parallel_loop3A_195 = tpu.vector_load_idx %arg16[%parallel_loop3A_192, %parallel_loop3A_194] : memref<80x17xf32, #tpu.memory_space<vmem>>[vector<16xi32>, vector<16xi32>], vector<16xf32>,
        %parallel_loop3A_196 = arith.constant 16 : i32
        %parallel_loop3A_197 = arith.muli %parallel_loop3A_187, %parallel_loop3A_196 : i32
        %parallel_loop3A_198 = arith.addi %multiple_of3A_95, %parallel_loop3A_197 : i32
        %parallel_loop3A_199 = arith.index_cast %parallel_loop3A_198 : i32 to index
        %parallel_loop3A_200 = tpu.vector_load %arg17[%parallel_loop3A_199] {strides = array<i32>} : memref<10000xf32, #tpu.memory_space<vmem>>, vector<16xf32>,
        tpu.vector_store %arg17[%parallel_loop3A_199], %parallel_loop3A_195 {strides = array<i32>} : memref<10000xf32, #tpu.memory_space<vmem>>, vector<16xf32>,
      } {sc.loop_unroll_factor = 5 : i64, sc.parallel_access}
      %add3A_99 = arith.constant 4 : i32
      %add3A_100 = arith.addi %add3A_79, %add3A_99 : i32
      %lt3A = arith.constant 125 : i32
      %lt3A_101 = arith.cmpi slt, %add3A_100, %lt3A : i32
      %convert_element_type3A = arith.extui %lt3A_101 : i1 to i32
      %cond3A = arith.constant 0 : i32
      %cond3A_102 = arith.cmpi ne, %convert_element_type3A, %cond3A : i32
      scf.if %cond3A_102 {
        %mul3A_187 = arith.constant 80 : i32
        %mul3A_188 = arith.muli %add3A_100, %mul3A_187 : i32
        %multiple_of3A_189 = tpu.assume_multiple %mul3A_188, 8 : i32
        %dma_start3A_190 = tpu.memref_slice %arg6[%multiple_of3A_189] : memref<10000xi32, #tpu.memory_space<vmem>> -> memref<80xi32, #tpu.memory_space<vmem>>
        %dma_start3A_191 = arith.constant 0 : i32
        %dma_start3A_192 = arith.constant 0 : i32
        %dma_start3A_193 = tpu.memref_slice %arg18[%dma_start3A_191, %dma_start3A_192] : memref<10000x64xi32, #tpu.memory_space<vmem_shared>> -> memref<10000x64xi32, #tpu.memory_space<vmem_shared>>
        tpu.enqueue_indirect_dma source(%dma_start3A_193 : memref<10000x64xi32, #tpu.memory_space<vmem_shared>>) target(%arg8 : memref<80x64xi32, #tpu.memory_space<vmem>>) offsets(%dma_start3A_190 : memref<80xi32, #tpu.memory_space<vmem>>) semaphore(%arg20 : memref<!tpu.dma_semaphore, #tpu.memory_space<semaphore_mem>>)
        %dma_start3A_194 = tpu.memref_slice %arg7[%multiple_of3A_189] : memref<10000xi32, #tpu.memory_space<vmem>> -> memref<80xi32, #tpu.memory_space<vmem>>
        %dma_start3A_195 = arith.constant 0 : i32
        %dma_start3A_196 = arith.constant 0 : i32
        %dma_start3A_197 = tpu.memref_slice %arg18[%dma_start3A_195, %dma_start3A_196] : memref<10000x64xi32, #tpu.memory_space<vmem_shared>> -> memref<10000x64xi32, #tpu.memory_space<vmem_shared>>
        tpu.enqueue_indirect_dma source(%dma_start3A_197 : memref<10000x64xi32, #tpu.memory_space<vmem_shared>>) target(%arg12 : memref<80x64xi32, #tpu.memory_space<vmem>>) offsets(%dma_start3A_194 : memref<80xi32, #tpu.memory_space<vmem>>) semaphore(%arg24 : memref<!tpu.dma_semaphore, #tpu.memory_space<semaphore_mem>>)
      } else {
      }
      %add3A_103 = arith.constant 1 : i32
      %add3A_104 = arith.addi %add3A_77, %add3A_103 : i32
      %dma_wait3A_105 = arith.constant 0 : i32
      %dma_wait3A_106 = tpu.memref_slice %arg6[%dma_wait3A_105] : memref<10000xi32, #tpu.memory_space<vmem>> -> memref<80xi32, #tpu.memory_space<vmem>>
      %dma_wait3A_107 = arith.constant 0 : i32
      %dma_wait3A_108 = arith.constant 0 : i32
      %dma_wait3A_109 = tpu.memref_slice %arg18[%dma_wait3A_107, %dma_wait3A_108] : memref<10000x64xi32, #tpu.memory_space<vmem_shared>> -> memref<10000x64xi32, #tpu.memory_space<vmem_shared>>
      tpu.wait_indirect_dma semaphore(%arg21 : memref<!tpu.dma_semaphore, #tpu.memory_space<semaphore_mem>>) src(%dma_wait3A_109 : memref<10000x64xi32, #tpu.memory_space<vmem_shared>>) dst(%arg9 : memref<80x64xi32, #tpu.memory_space<vmem>>)
      %dma_wait3A_110 = arith.constant 0 : i32
      %dma_wait3A_111 = tpu.memref_slice %arg7[%dma_wait3A_110] : memref<10000xi32, #tpu.memory_space<vmem>> -> memref<80xi32, #tpu.memory_space<vmem>>
      %dma_wait3A_112 = arith.constant 0 : i32
      %dma_wait3A_113 = arith.constant 0 : i32
      %dma_wait3A_114 = tpu.memref_slice %arg18[%dma_wait3A_112, %dma_wait3A_113] : memref<10000x64xi32, #tpu.memory_space<vmem_shared>> -> memref<10000x64xi32, #tpu.memory_space<vmem_shared>>
      tpu.wait_indirect_dma semaphore(%arg25 : memref<!tpu.dma_semaphore, #tpu.memory_space<semaphore_mem>>) src(%dma_wait3A_114 : memref<10000x64xi32, #tpu.memory_space<vmem_shared>>) dst(%arg13 : memref<80x64xi32, #tpu.memory_space<vmem>>)
      %parallel_loop3A_115 = arith.constant 0 : i32
      %parallel_loop3A_116 = arith.constant 80 : i32
      %parallel_loop3A_117 = arith.constant 1 : i32
      scf.for %parallel_loop3A_187 = %parallel_loop3A_115 to %parallel_loop3A_116 step %parallel_loop3A_117  : i32 {
        %parallel_loop3A_188 = arith.index_cast %parallel_loop3A_187 : i32 to index
        %parallel_loop3A_189 = arith.constant 0 : index
        %parallel_loop3A_190 = tpu.vector_load %arg9[%parallel_loop3A_188, %parallel_loop3A_189] {strides = array<i32>} : memref<80x64xi32, #tpu.memory_space<vmem>>, vector<16xi32>,
        %parallel_loop3A_191 = vector.bitcast %parallel_loop3A_190 : vector<16xi32> to vector<32xbf16>
        %parallel_loop3A_192 = arith.index_cast %parallel_loop3A_187 : i32 to index
        %parallel_loop3A_193 = arith.constant 0 : index
        %parallel_loop3A_194 = tpu.vector_load %arg13[%parallel_loop3A_192, %parallel_loop3A_193] {strides = array<i32>} : memref<80x64xi32, #tpu.memory_space<vmem>>, vector<16xi32>,
        %parallel_loop3A_195 = vector.bitcast %parallel_loop3A_194 : vector<16xi32> to vector<32xbf16>
        %parallel_loop3A_196 = arith.mulf %parallel_loop3A_191, %parallel_loop3A_195 : vector<32xbf16>
        %parallel_loop3A_197 = arith.index_cast %parallel_loop3A_187 : i32 to index
        %parallel_loop3A_198 = arith.constant 16 : index
        %parallel_loop3A_199 = tpu.vector_load %arg9[%parallel_loop3A_197, %parallel_loop3A_198] {strides = array<i32>} : memref<80x64xi32, #tpu.memory_space<vmem>>, vector<16xi32>,
        %parallel_loop3A_200 = vector.bitcast %parallel_loop3A_199 : vector<16xi32> to vector<32xbf16>
        %parallel_loop3A_201 = arith.index_cast %parallel_loop3A_187 : i32 to index
        %parallel_loop3A_202 = arith.constant 16 : index
        %parallel_loop3A_203 = tpu.vector_load %arg13[%parallel_loop3A_201, %parallel_loop3A_202] {strides = array<i32>} : memref<80x64xi32, #tpu.memory_space<vmem>>, vector<16xi32>,
        %parallel_loop3A_204 = vector.bitcast %parallel_loop3A_203 : vector<16xi32> to vector<32xbf16>
        %parallel_loop3A_205 = arith.mulf %parallel_loop3A_200, %parallel_loop3A_204 : vector<32xbf16>
        %parallel_loop3A_206 = arith.addf %parallel_loop3A_196, %parallel_loop3A_205 : vector<32xbf16>
        %parallel_loop3A_207 = arith.index_cast %parallel_loop3A_187 : i32 to index
        %parallel_loop3A_208 = arith.constant 32 : index
        %parallel_loop3A_209 = tpu.vector_load %arg9[%parallel_loop3A_207, %parallel_loop3A_208] {strides = array<i32>} : memref<80x64xi32, #tpu.memory_space<vmem>>, vector<16xi32>,
        %parallel_loop3A_210 = vector.bitcast %parallel_loop3A_209 : vector<16xi32> to vector<32xbf16>
        %parallel_loop3A_211 = arith.index_cast %parallel_loop3A_187 : i32 to index
        %parallel_loop3A_212 = arith.constant 32 : index
        %parallel_loop3A_213 = tpu.vector_load %arg13[%parallel_loop3A_211, %parallel_loop3A_212] {strides = array<i32>} : memref<80x64xi32, #tpu.memory_space<vmem>>, vector<16xi32>,
        %parallel_loop3A_214 = vector.bitcast %parallel_loop3A_213 : vector<16xi32> to vector<32xbf16>
        %parallel_loop3A_215 = arith.mulf %parallel_loop3A_210, %parallel_loop3A_214 : vector<32xbf16>
        %parallel_loop3A_216 = arith.addf %parallel_loop3A_206, %parallel_loop3A_215 : vector<32xbf16>
        %parallel_loop3A_217 = arith.index_cast %parallel_loop3A_187 : i32 to index
        %parallel_loop3A_218 = arith.constant 48 : index
        %parallel_loop3A_219 = tpu.vector_load %arg9[%parallel_loop3A_217, %parallel_loop3A_218] {strides = array<i32>} : memref<80x64xi32, #tpu.memory_space<vmem>>, vector<16xi32>,
        %parallel_loop3A_220 = vector.bitcast %parallel_loop3A_219 : vector<16xi32> to vector<32xbf16>
        %parallel_loop3A_221 = arith.index_cast %parallel_loop3A_187 : i32 to index
        %parallel_loop3A_222 = arith.constant 48 : index
        %parallel_loop3A_223 = tpu.vector_load %arg13[%parallel_loop3A_221, %parallel_loop3A_222] {strides = array<i32>} : memref<80x64xi32, #tpu.memory_space<vmem>>, vector<16xi32>,
        %parallel_loop3A_224 = vector.bitcast %parallel_loop3A_223 : vector<16xi32> to vector<32xbf16>
        %parallel_loop3A_225 = arith.mulf %parallel_loop3A_220, %parallel_loop3A_224 : vector<32xbf16>
        %parallel_loop3A_226 = arith.addf %parallel_loop3A_216, %parallel_loop3A_225 : vector<32xbf16>
        %parallel_loop3A_227 = tpu.unpack_subelements %parallel_loop3A_226, 0 {pack_format = #tpu.pack_format<interleaved>} : vector<32xbf16> -> vector<16xf32>
        %parallel_loop3A_228 = tpu.unpack_subelements %parallel_loop3A_226, 1 {pack_format = #tpu.pack_format<interleaved>} : vector<32xbf16> -> vector<16xf32>
        %parallel_loop3A_229 = arith.addf %parallel_loop3A_227, %parallel_loop3A_228 : vector<16xf32>
        %parallel_loop3A_230 = arith.constant true
        %parallel_loop3A_231 = vector.broadcast %parallel_loop3A_230 : i1 to vector<16xi1>
        %parallel_loop3A_232 = tpu.scan <sum>, %parallel_loop3A_229 masked %parallel_loop3A_231 : vector<16xf32>, vector<16xi1> -> vector<16xf32>
        %parallel_loop3A_233 = arith.index_cast %parallel_loop3A_187 : i32 to index
        %parallel_loop3A_234 = arith.constant 0 : index
        %parallel_loop3A_235 = tpu.vector_load %arg16[%parallel_loop3A_233, %parallel_loop3A_234] {strides = array<i32>} : memref<80x17xf32, #tpu.memory_space<vmem>>, vector<16xf32>,
        tpu.vector_store %arg16[%parallel_loop3A_233, %parallel_loop3A_234], %parallel_loop3A_232 {strides = array<i32>} : memref<80x17xf32, #tpu.memory_space<vmem>>, vector<16xf32>,
      } {sc.loop_unroll_factor = 4 : i64, sc.parallel_access}
      %mul3A_118 = arith.constant 80 : i32
      %mul3A_119 = arith.muli %add3A_104, %mul3A_118 : i32
      %multiple_of3A_120 = tpu.assume_multiple %mul3A_119, 8 : i32
      %parallel_loop3A_121 = arith.constant 0 : i32
      %parallel_loop3A_122 = arith.constant 5 : i32
      %parallel_loop3A_123 = arith.constant 1 : i32
      scf.for %parallel_loop3A_187 = %parallel_loop3A_121 to %parallel_loop3A_122 step %parallel_loop3A_123  : i32 {
        %parallel_loop3A_188 = arith.constant 16 : i32
        %parallel_loop3A_189 = arith.muli %parallel_loop3A_187, %parallel_loop3A_188 : i32
        %parallel_loop3A_190 = tpu.iota {dimensions = array<i32: 0>} : vector<16xi32>
        %parallel_loop3A_191 = vector.broadcast %parallel_loop3A_189 : i32 to vector<16xi32>
        %parallel_loop3A_192 = arith.addi %parallel_loop3A_191, %parallel_loop3A_190 : vector<16xi32>
        %parallel_loop3A_193 = arith.constant 15 : i32
        %parallel_loop3A_194 = vector.broadcast %parallel_loop3A_193 : i32 to vector<16xi32>
        %parallel_loop3A_195 = tpu.vector_load_idx %arg16[%parallel_loop3A_192, %parallel_loop3A_194] : memref<80x17xf32, #tpu.memory_space<vmem>>[vector<16xi32>, vector<16xi32>], vector<16xf32>,
        %parallel_loop3A_196 = arith.constant 16 : i32
        %parallel_loop3A_197 = arith.muli %parallel_loop3A_187, %parallel_loop3A_196 : i32
        %parallel_loop3A_198 = arith.addi %multiple_of3A_120, %parallel_loop3A_197 : i32
        %parallel_loop3A_199 = arith.index_cast %parallel_loop3A_198 : i32 to index
        %parallel_loop3A_200 = tpu.vector_load %arg17[%parallel_loop3A_199] {strides = array<i32>} : memref<10000xf32, #tpu.memory_space<vmem>>, vector<16xf32>,
        tpu.vector_store %arg17[%parallel_loop3A_199], %parallel_loop3A_195 {strides = array<i32>} : memref<10000xf32, #tpu.memory_space<vmem>>, vector<16xf32>,
      } {sc.loop_unroll_factor = 5 : i64, sc.parallel_access}
      %add3A_124 = arith.constant 4 : i32
      %add3A_125 = arith.addi %add3A_104, %add3A_124 : i32
      %lt3A_126 = arith.constant 125 : i32
      %lt3A_127 = arith.cmpi slt, %add3A_125, %lt3A_126 : i32
      %convert_element_type3A_128 = arith.extui %lt3A_127 : i1 to i32
      %cond3A_129 = arith.constant 0 : i32
      %cond3A_130 = arith.cmpi ne, %convert_element_type3A_128, %cond3A_129 : i32
      scf.if %cond3A_130 {
        %mul3A_187 = arith.constant 80 : i32
        %mul3A_188 = arith.muli %add3A_125, %mul3A_187 : i32
        %multiple_of3A_189 = tpu.assume_multiple %mul3A_188, 8 : i32
        %dma_start3A_190 = tpu.memref_slice %arg6[%multiple_of3A_189] : memref<10000xi32, #tpu.memory_space<vmem>> -> memref<80xi32, #tpu.memory_space<vmem>>
        %dma_start3A_191 = arith.constant 0 : i32
        %dma_start3A_192 = arith.constant 0 : i32
        %dma_start3A_193 = tpu.memref_slice %arg18[%dma_start3A_191, %dma_start3A_192] : memref<10000x64xi32, #tpu.memory_space<vmem_shared>> -> memref<10000x64xi32, #tpu.memory_space<vmem_shared>>
        tpu.enqueue_indirect_dma source(%dma_start3A_193 : memref<10000x64xi32, #tpu.memory_space<vmem_shared>>) target(%arg9 : memref<80x64xi32, #tpu.memory_space<vmem>>) offsets(%dma_start3A_190 : memref<80xi32, #tpu.memory_space<vmem>>) semaphore(%arg21 : memref<!tpu.dma_semaphore, #tpu.memory_space<semaphore_mem>>)
        %dma_start3A_194 = tpu.memref_slice %arg7[%multiple_of3A_189] : memref<10000xi32, #tpu.memory_space<vmem>> -> memref<80xi32, #tpu.memory_space<vmem>>
        %dma_start3A_195 = arith.constant 0 : i32
        %dma_start3A_196 = arith.constant 0 : i32
        %dma_start3A_197 = tpu.memref_slice %arg18[%dma_start3A_195, %dma_start3A_196] : memref<10000x64xi32, #tpu.memory_space<vmem_shared>> -> memref<10000x64xi32, #tpu.memory_space<vmem_shared>>
        tpu.enqueue_indirect_dma source(%dma_start3A_197 : memref<10000x64xi32, #tpu.memory_space<vmem_shared>>) target(%arg13 : memref<80x64xi32, #tpu.memory_space<vmem>>) offsets(%dma_start3A_194 : memref<80xi32, #tpu.memory_space<vmem>>) semaphore(%arg25 : memref<!tpu.dma_semaphore, #tpu.memory_space<semaphore_mem>>)
      } else {
      }
      %add3A_131 = arith.constant 2 : i32
      %add3A_132 = arith.addi %add3A_77, %add3A_131 : i32
      %dma_wait3A_133 = arith.constant 0 : i32
      %dma_wait3A_134 = tpu.memref_slice %arg6[%dma_wait3A_133] : memref<10000xi32, #tpu.memory_space<vmem>> -> memref<80xi32, #tpu.memory_space<vmem>>
      %dma_wait3A_135 = arith.constant 0 : i32
      %dma_wait3A_136 = arith.constant 0 : i32
      %dma_wait3A_137 = tpu.memref_slice %arg18[%dma_wait3A_135, %dma_wait3A_136] : memref<10000x64xi32, #tpu.memory_space<vmem_shared>> -> memref<10000x64xi32, #tpu.memory_space<vmem_shared>>
      tpu.wait_indirect_dma semaphore(%arg22 : memref<!tpu.dma_semaphore, #tpu.memory_space<semaphore_mem>>) src(%dma_wait3A_137 : memref<10000x64xi32, #tpu.memory_space<vmem_shared>>) dst(%arg10 : memref<80x64xi32, #tpu.memory_space<vmem>>)
      %dma_wait3A_138 = arith.constant 0 : i32
      %dma_wait3A_139 = tpu.memref_slice %arg7[%dma_wait3A_138] : memref<10000xi32, #tpu.memory_space<vmem>> -> memref<80xi32, #tpu.memory_space<vmem>>
      %dma_wait3A_140 = arith.constant 0 : i32
      %dma_wait3A_141 = arith.constant 0 : i32
      %dma_wait3A_142 = tpu.memref_slice %arg18[%dma_wait3A_140, %dma_wait3A_141] : memref<10000x64xi32, #tpu.memory_space<vmem_shared>> -> memref<10000x64xi32, #tpu.memory_space<vmem_shared>>
      tpu.wait_indirect_dma semaphore(%arg26 : memref<!tpu.dma_semaphore, #tpu.memory_space<semaphore_mem>>) src(%dma_wait3A_142 : memref<10000x64xi32, #tpu.memory_space<vmem_shared>>) dst(%arg14 : memref<80x64xi32, #tpu.memory_space<vmem>>)
      %parallel_loop3A_143 = arith.constant 0 : i32
      %parallel_loop3A_144 = arith.constant 80 : i32
      %parallel_loop3A_145 = arith.constant 1 : i32
      scf.for %parallel_loop3A_187 = %parallel_loop3A_143 to %parallel_loop3A_144 step %parallel_loop3A_145  : i32 {
        %parallel_loop3A_188 = arith.index_cast %parallel_loop3A_187 : i32 to index
        %parallel_loop3A_189 = arith.constant 0 : index
        %parallel_loop3A_190 = tpu.vector_load %arg10[%parallel_loop3A_188, %parallel_loop3A_189] {strides = array<i32>} : memref<80x64xi32, #tpu.memory_space<vmem>>, vector<16xi32>,
        %parallel_loop3A_191 = vector.bitcast %parallel_loop3A_190 : vector<16xi32> to vector<32xbf16>
        %parallel_loop3A_192 = arith.index_cast %parallel_loop3A_187 : i32 to index
        %parallel_loop3A_193 = arith.constant 0 : index
        %parallel_loop3A_194 = tpu.vector_load %arg14[%parallel_loop3A_192, %parallel_loop3A_193] {strides = array<i32>} : memref<80x64xi32, #tpu.memory_space<vmem>>, vector<16xi32>,
        %parallel_loop3A_195 = vector.bitcast %parallel_loop3A_194 : vector<16xi32> to vector<32xbf16>
        %parallel_loop3A_196 = arith.mulf %parallel_loop3A_191, %parallel_loop3A_195 : vector<32xbf16>
        %parallel_loop3A_197 = arith.index_cast %parallel_loop3A_187 : i32 to index
        %parallel_loop3A_198 = arith.constant 16 : index
        %parallel_loop3A_199 = tpu.vector_load %arg10[%parallel_loop3A_197, %parallel_loop3A_198] {strides = array<i32>} : memref<80x64xi32, #tpu.memory_space<vmem>>, vector<16xi32>,
        %parallel_loop3A_200 = vector.bitcast %parallel_loop3A_199 : vector<16xi32> to vector<32xbf16>
        %parallel_loop3A_201 = arith.index_cast %parallel_loop3A_187 : i32 to index
        %parallel_loop3A_202 = arith.constant 16 : index
        %parallel_loop3A_203 = tpu.vector_load %arg14[%parallel_loop3A_201, %parallel_loop3A_202] {strides = array<i32>} : memref<80x64xi32, #tpu.memory_space<vmem>>, vector<16xi32>,
        %parallel_loop3A_204 = vector.bitcast %parallel_loop3A_203 : vector<16xi32> to vector<32xbf16>
        %parallel_loop3A_205 = arith.mulf %parallel_loop3A_200, %parallel_loop3A_204 : vector<32xbf16>
        %parallel_loop3A_206 = arith.addf %parallel_loop3A_196, %parallel_loop3A_205 : vector<32xbf16>
        %parallel_loop3A_207 = arith.index_cast %parallel_loop3A_187 : i32 to index
        %parallel_loop3A_208 = arith.constant 32 : index
        %parallel_loop3A_209 = tpu.vector_load %arg10[%parallel_loop3A_207, %parallel_loop3A_208] {strides = array<i32>} : memref<80x64xi32, #tpu.memory_space<vmem>>, vector<16xi32>,
        %parallel_loop3A_210 = vector.bitcast %parallel_loop3A_209 : vector<16xi32> to vector<32xbf16>
        %parallel_loop3A_211 = arith.index_cast %parallel_loop3A_187 : i32 to index
        %parallel_loop3A_212 = arith.constant 32 : index
        %parallel_loop3A_213 = tpu.vector_load %arg14[%parallel_loop3A_211, %parallel_loop3A_212] {strides = array<i32>} : memref<80x64xi32, #tpu.memory_space<vmem>>, vector<16xi32>,
        %parallel_loop3A_214 = vector.bitcast %parallel_loop3A_213 : vector<16xi32> to vector<32xbf16>
        %parallel_loop3A_215 = arith.mulf %parallel_loop3A_210, %parallel_loop3A_214 : vector<32xbf16>
        %parallel_loop3A_216 = arith.addf %parallel_loop3A_206, %parallel_loop3A_215 : vector<32xbf16>
        %parallel_loop3A_217 = arith.index_cast %parallel_loop3A_187 : i32 to index
        %parallel_loop3A_218 = arith.constant 48 : index
        %parallel_loop3A_219 = tpu.vector_load %arg10[%parallel_loop3A_217, %parallel_loop3A_218] {strides = array<i32>} : memref<80x64xi32, #tpu.memory_space<vmem>>, vector<16xi32>,
        %parallel_loop3A_220 = vector.bitcast %parallel_loop3A_219 : vector<16xi32> to vector<32xbf16>
        %parallel_loop3A_221 = arith.index_cast %parallel_loop3A_187 : i32 to index
        %parallel_loop3A_222 = arith.constant 48 : index
        %parallel_loop3A_223 = tpu.vector_load %arg14[%parallel_loop3A_221, %parallel_loop3A_222] {strides = array<i32>} : memref<80x64xi32, #tpu.memory_space<vmem>>, vector<16xi32>,
        %parallel_loop3A_224 = vector.bitcast %parallel_loop3A_223 : vector<16xi32> to vector<32xbf16>
        %parallel_loop3A_225 = arith.mulf %parallel_loop3A_220, %parallel_loop3A_224 : vector<32xbf16>
        %parallel_loop3A_226 = arith.addf %parallel_loop3A_216, %parallel_loop3A_225 : vector<32xbf16>
        %parallel_loop3A_227 = tpu.unpack_subelements %parallel_loop3A_226, 0 {pack_format = #tpu.pack_format<interleaved>} : vector<32xbf16> -> vector<16xf32>
        %parallel_loop3A_228 = tpu.unpack_subelements %parallel_loop3A_226, 1 {pack_format = #tpu.pack_format<interleaved>} : vector<32xbf16> -> vector<16xf32>
        %parallel_loop3A_229 = arith.addf %parallel_loop3A_227, %parallel_loop3A_228 : vector<16xf32>
        %parallel_loop3A_230 = arith.constant true
        %parallel_loop3A_231 = vector.broadcast %parallel_loop3A_230 : i1 to vector<16xi1>
        %parallel_loop3A_232 = tpu.scan <sum>, %parallel_loop3A_229 masked %parallel_loop3A_231 : vector<16xf32>, vector<16xi1> -> vector<16xf32>
        %parallel_loop3A_233 = arith.index_cast %parallel_loop3A_187 : i32 to index
        %parallel_loop3A_234 = arith.constant 0 : index
        %parallel_loop3A_235 = tpu.vector_load %arg16[%parallel_loop3A_233, %parallel_loop3A_234] {strides = array<i32>} : memref<80x17xf32, #tpu.memory_space<vmem>>, vector<16xf32>,
        tpu.vector_store %arg16[%parallel_loop3A_233, %parallel_loop3A_234], %parallel_loop3A_232 {strides = array<i32>} : memref<80x17xf32, #tpu.memory_space<vmem>>, vector<16xf32>,
      } {sc.loop_unroll_factor = 4 : i64, sc.parallel_access}
      %mul3A_146 = arith.constant 80 : i32
      %mul3A_147 = arith.muli %add3A_132, %mul3A_146 : i32
      %multiple_of3A_148 = tpu.assume_multiple %mul3A_147, 8 : i32
      %parallel_loop3A_149 = arith.constant 0 : i32
      %parallel_loop3A_150 = arith.constant 5 : i32
      %parallel_loop3A_151 = arith.constant 1 : i32
      scf.for %parallel_loop3A_187 = %parallel_loop3A_149 to %parallel_loop3A_150 step %parallel_loop3A_151  : i32 {
        %parallel_loop3A_188 = arith.constant 16 : i32
        %parallel_loop3A_189 = arith.muli %parallel_loop3A_187, %parallel_loop3A_188 : i32
        %parallel_loop3A_190 = tpu.iota {dimensions = array<i32: 0>} : vector<16xi32>
        %parallel_loop3A_191 = vector.broadcast %parallel_loop3A_189 : i32 to vector<16xi32>
        %parallel_loop3A_192 = arith.addi %parallel_loop3A_191, %parallel_loop3A_190 : vector<16xi32>
        %parallel_loop3A_193 = arith.constant 15 : i32
        %parallel_loop3A_194 = vector.broadcast %parallel_loop3A_193 : i32 to vector<16xi32>
        %parallel_loop3A_195 = tpu.vector_load_idx %arg16[%parallel_loop3A_192, %parallel_loop3A_194] : memref<80x17xf32, #tpu.memory_space<vmem>>[vector<16xi32>, vector<16xi32>], vector<16xf32>,
        %parallel_loop3A_196 = arith.constant 16 : i32
        %parallel_loop3A_197 = arith.muli %parallel_loop3A_187, %parallel_loop3A_196 : i32
        %parallel_loop3A_198 = arith.addi %multiple_of3A_148, %parallel_loop3A_197 : i32
        %parallel_loop3A_199 = arith.index_cast %parallel_loop3A_198 : i32 to index
        %parallel_loop3A_200 = tpu.vector_load %arg17[%parallel_loop3A_199] {strides = array<i32>} : memref<10000xf32, #tpu.memory_space<vmem>>, vector<16xf32>,
        tpu.vector_store %arg17[%parallel_loop3A_199], %parallel_loop3A_195 {strides = array<i32>} : memref<10000xf32, #tpu.memory_space<vmem>>, vector<16xf32>,
      } {sc.loop_unroll_factor = 5 : i64, sc.parallel_access}
      %add3A_152 = arith.constant 4 : i32
      %add3A_153 = arith.addi %add3A_132, %add3A_152 : i32
      %lt3A_154 = arith.constant 125 : i32
      %lt3A_155 = arith.cmpi slt, %add3A_153, %lt3A_154 : i32
      %convert_element_type3A_156 = arith.extui %lt3A_155 : i1 to i32
      %cond3A_157 = arith.constant 0 : i32
      %cond3A_158 = arith.cmpi ne, %convert_element_type3A_156, %cond3A_157 : i32
      scf.if %cond3A_158 {
        %mul3A_187 = arith.constant 80 : i32
        %mul3A_188 = arith.muli %add3A_153, %mul3A_187 : i32
        %multiple_of3A_189 = tpu.assume_multiple %mul3A_188, 8 : i32
        %dma_start3A_190 = tpu.memref_slice %arg6[%multiple_of3A_189] : memref<10000xi32, #tpu.memory_space<vmem>> -> memref<80xi32, #tpu.memory_space<vmem>>
        %dma_start3A_191 = arith.constant 0 : i32
        %dma_start3A_192 = arith.constant 0 : i32
        %dma_start3A_193 = tpu.memref_slice %arg18[%dma_start3A_191, %dma_start3A_192] : memref<10000x64xi32, #tpu.memory_space<vmem_shared>> -> memref<10000x64xi32, #tpu.memory_space<vmem_shared>>
        tpu.enqueue_indirect_dma source(%dma_start3A_193 : memref<10000x64xi32, #tpu.memory_space<vmem_shared>>) target(%arg10 : memref<80x64xi32, #tpu.memory_space<vmem>>) offsets(%dma_start3A_190 : memref<80xi32, #tpu.memory_space<vmem>>) semaphore(%arg22 : memref<!tpu.dma_semaphore, #tpu.memory_space<semaphore_mem>>)
        %dma_start3A_194 = tpu.memref_slice %arg7[%multiple_of3A_189] : memref<10000xi32, #tpu.memory_space<vmem>> -> memref<80xi32, #tpu.memory_space<vmem>>
        %dma_start3A_195 = arith.constant 0 : i32
        %dma_start3A_196 = arith.constant 0 : i32
        %dma_start3A_197 = tpu.memref_slice %arg18[%dma_start3A_195, %dma_start3A_196] : memref<10000x64xi32, #tpu.memory_space<vmem_shared>> -> memref<10000x64xi32, #tpu.memory_space<vmem_shared>>
        tpu.enqueue_indirect_dma source(%dma_start3A_197 : memref<10000x64xi32, #tpu.memory_space<vmem_shared>>) target(%arg14 : memref<80x64xi32, #tpu.memory_space<vmem>>) offsets(%dma_start3A_194 : memref<80xi32, #tpu.memory_space<vmem>>) semaphore(%arg26 : memref<!tpu.dma_semaphore, #tpu.memory_space<semaphore_mem>>)
      } else {
      }
      %add3A_159 = arith.constant 3 : i32
      %add3A_160 = arith.addi %add3A_77, %add3A_159 : i32
      %dma_wait3A_161 = arith.constant 0 : i32
      %dma_wait3A_162 = tpu.memref_slice %arg6[%dma_wait3A_161] : memref<10000xi32, #tpu.memory_space<vmem>> -> memref<80xi32, #tpu.memory_space<vmem>>
      %dma_wait3A_163 = arith.constant 0 : i32
      %dma_wait3A_164 = arith.constant 0 : i32
      %dma_wait3A_165 = tpu.memref_slice %arg18[%dma_wait3A_163, %dma_wait3A_164] : memref<10000x64xi32, #tpu.memory_space<vmem_shared>> -> memref<10000x64xi32, #tpu.memory_space<vmem_shared>>
      tpu.wait_indirect_dma semaphore(%arg23 : memref<!tpu.dma_semaphore, #tpu.memory_space<semaphore_mem>>) src(%dma_wait3A_165 : memref<10000x64xi32, #tpu.memory_space<vmem_shared>>) dst(%arg11 : memref<80x64xi32, #tpu.memory_space<vmem>>)
      %dma_wait3A_166 = arith.constant 0 : i32
      %dma_wait3A_167 = tpu.memref_slice %arg7[%dma_wait3A_166] : memref<10000xi32, #tpu.memory_space<vmem>> -> memref<80xi32, #tpu.memory_space<vmem>>
      %dma_wait3A_168 = arith.constant 0 : i32
      %dma_wait3A_169 = arith.constant 0 : i32
      %dma_wait3A_170 = tpu.memref_slice %arg18[%dma_wait3A_168, %dma_wait3A_169] : memref<10000x64xi32, #tpu.memory_space<vmem_shared>> -> memref<10000x64xi32, #tpu.memory_space<vmem_shared>>
      tpu.wait_indirect_dma semaphore(%arg27 : memref<!tpu.dma_semaphore, #tpu.memory_space<semaphore_mem>>) src(%dma_wait3A_170 : memref<10000x64xi32, #tpu.memory_space<vmem_shared>>) dst(%arg15 : memref<80x64xi32, #tpu.memory_space<vmem>>)
      %parallel_loop3A_171 = arith.constant 0 : i32
      %parallel_loop3A_172 = arith.constant 80 : i32
      %parallel_loop3A_173 = arith.constant 1 : i32
      scf.for %parallel_loop3A_187 = %parallel_loop3A_171 to %parallel_loop3A_172 step %parallel_loop3A_173  : i32 {
        %parallel_loop3A_188 = arith.index_cast %parallel_loop3A_187 : i32 to index
        %parallel_loop3A_189 = arith.constant 0 : index
        %parallel_loop3A_190 = tpu.vector_load %arg11[%parallel_loop3A_188, %parallel_loop3A_189] {strides = array<i32>} : memref<80x64xi32, #tpu.memory_space<vmem>>, vector<16xi32>,
        %parallel_loop3A_191 = vector.bitcast %parallel_loop3A_190 : vector<16xi32> to vector<32xbf16>
        %parallel_loop3A_192 = arith.index_cast %parallel_loop3A_187 : i32 to index
        %parallel_loop3A_193 = arith.constant 0 : index
        %parallel_loop3A_194 = tpu.vector_load %arg15[%parallel_loop3A_192, %parallel_loop3A_193] {strides = array<i32>} : memref<80x64xi32, #tpu.memory_space<vmem>>, vector<16xi32>,
        %parallel_loop3A_195 = vector.bitcast %parallel_loop3A_194 : vector<16xi32> to vector<32xbf16>
        %parallel_loop3A_196 = arith.mulf %parallel_loop3A_191, %parallel_loop3A_195 : vector<32xbf16>
        %parallel_loop3A_197 = arith.index_cast %parallel_loop3A_187 : i32 to index
        %parallel_loop3A_198 = arith.constant 16 : index
        %parallel_loop3A_199 = tpu.vector_load %arg11[%parallel_loop3A_197, %parallel_loop3A_198] {strides = array<i32>} : memref<80x64xi32, #tpu.memory_space<vmem>>, vector<16xi32>,
        %parallel_loop3A_200 = vector.bitcast %parallel_loop3A_199 : vector<16xi32> to vector<32xbf16>
        %parallel_loop3A_201 = arith.index_cast %parallel_loop3A_187 : i32 to index
        %parallel_loop3A_202 = arith.constant 16 : index
        %parallel_loop3A_203 = tpu.vector_load %arg15[%parallel_loop3A_201, %parallel_loop3A_202] {strides = array<i32>} : memref<80x64xi32, #tpu.memory_space<vmem>>, vector<16xi32>,
        %parallel_loop3A_204 = vector.bitcast %parallel_loop3A_203 : vector<16xi32> to vector<32xbf16>
        %parallel_loop3A_205 = arith.mulf %parallel_loop3A_200, %parallel_loop3A_204 : vector<32xbf16>
        %parallel_loop3A_206 = arith.addf %parallel_loop3A_196, %parallel_loop3A_205 : vector<32xbf16>
        %parallel_loop3A_207 = arith.index_cast %parallel_loop3A_187 : i32 to index
        %parallel_loop3A_208 = arith.constant 32 : index
        %parallel_loop3A_209 = tpu.vector_load %arg11[%parallel_loop3A_207, %parallel_loop3A_208] {strides = array<i32>} : memref<80x64xi32, #tpu.memory_space<vmem>>, vector<16xi32>,
        %parallel_loop3A_210 = vector.bitcast %parallel_loop3A_209 : vector<16xi32> to vector<32xbf16>
        %parallel_loop3A_211 = arith.index_cast %parallel_loop3A_187 : i32 to index
        %parallel_loop3A_212 = arith.constant 32 : index
        %parallel_loop3A_213 = tpu.vector_load %arg15[%parallel_loop3A_211, %parallel_loop3A_212] {strides = array<i32>} : memref<80x64xi32, #tpu.memory_space<vmem>>, vector<16xi32>,
        %parallel_loop3A_214 = vector.bitcast %parallel_loop3A_213 : vector<16xi32> to vector<32xbf16>
        %parallel_loop3A_215 = arith.mulf %parallel_loop3A_210, %parallel_loop3A_214 : vector<32xbf16>
        %parallel_loop3A_216 = arith.addf %parallel_loop3A_206, %parallel_loop3A_215 : vector<32xbf16>
        %parallel_loop3A_217 = arith.index_cast %parallel_loop3A_187 : i32 to index
        %parallel_loop3A_218 = arith.constant 48 : index
        %parallel_loop3A_219 = tpu.vector_load %arg11[%parallel_loop3A_217, %parallel_loop3A_218] {strides = array<i32>} : memref<80x64xi32, #tpu.memory_space<vmem>>, vector<16xi32>,
        %parallel_loop3A_220 = vector.bitcast %parallel_loop3A_219 : vector<16xi32> to vector<32xbf16>
        %parallel_loop3A_221 = arith.index_cast %parallel_loop3A_187 : i32 to index
        %parallel_loop3A_222 = arith.constant 48 : index
        %parallel_loop3A_223 = tpu.vector_load %arg15[%parallel_loop3A_221, %parallel_loop3A_222] {strides = array<i32>} : memref<80x64xi32, #tpu.memory_space<vmem>>, vector<16xi32>,
        %parallel_loop3A_224 = vector.bitcast %parallel_loop3A_223 : vector<16xi32> to vector<32xbf16>
        %parallel_loop3A_225 = arith.mulf %parallel_loop3A_220, %parallel_loop3A_224 : vector<32xbf16>
        %parallel_loop3A_226 = arith.addf %parallel_loop3A_216, %parallel_loop3A_225 : vector<32xbf16>
        %parallel_loop3A_227 = tpu.unpack_subelements %parallel_loop3A_226, 0 {pack_format = #tpu.pack_format<interleaved>} : vector<32xbf16> -> vector<16xf32>
        %parallel_loop3A_228 = tpu.unpack_subelements %parallel_loop3A_226, 1 {pack_format = #tpu.pack_format<interleaved>} : vector<32xbf16> -> vector<16xf32>
        %parallel_loop3A_229 = arith.addf %parallel_loop3A_227, %parallel_loop3A_228 : vector<16xf32>
        %parallel_loop3A_230 = arith.constant true
        %parallel_loop3A_231 = vector.broadcast %parallel_loop3A_230 : i1 to vector<16xi1>
        %parallel_loop3A_232 = tpu.scan <sum>, %parallel_loop3A_229 masked %parallel_loop3A_231 : vector<16xf32>, vector<16xi1> -> vector<16xf32>
        %parallel_loop3A_233 = arith.index_cast %parallel_loop3A_187 : i32 to index
        %parallel_loop3A_234 = arith.constant 0 : index
        %parallel_loop3A_235 = tpu.vector_load %arg16[%parallel_loop3A_233, %parallel_loop3A_234] {strides = array<i32>} : memref<80x17xf32, #tpu.memory_space<vmem>>, vector<16xf32>,
        tpu.vector_store %arg16[%parallel_loop3A_233, %parallel_loop3A_234], %parallel_loop3A_232 {strides = array<i32>} : memref<80x17xf32, #tpu.memory_space<vmem>>, vector<16xf32>,
      } {sc.loop_unroll_factor = 4 : i64, sc.parallel_access}
      %mul3A_174 = arith.constant 80 : i32
      %mul3A_175 = arith.muli %add3A_160, %mul3A_174 : i32
      %multiple_of3A_176 = tpu.assume_multiple %mul3A_175, 8 : i32
      %parallel_loop3A_177 = arith.constant 0 : i32
      %parallel_loop3A_178 = arith.constant 5 : i32
      %parallel_loop3A_179 = arith.constant 1 : i32
      scf.for %parallel_loop3A_187 = %parallel_loop3A_177 to %parallel_loop3A_178 step %parallel_loop3A_179  : i32 {
        %parallel_loop3A_188 = arith.constant 16 : i32
        %parallel_loop3A_189 = arith.muli %parallel_loop3A_187, %parallel_loop3A_188 : i32
        %parallel_loop3A_190 = tpu.iota {dimensions = array<i32: 0>} : vector<16xi32>
        %parallel_loop3A_191 = vector.broadcast %parallel_loop3A_189 : i32 to vector<16xi32>
        %parallel_loop3A_192 = arith.addi %parallel_loop3A_191, %parallel_loop3A_190 : vector<16xi32>
        %parallel_loop3A_193 = arith.constant 15 : i32
        %parallel_loop3A_194 = vector.broadcast %parallel_loop3A_193 : i32 to vector<16xi32>
        %parallel_loop3A_195 = tpu.vector_load_idx %arg16[%parallel_loop3A_192, %parallel_loop3A_194] : memref<80x17xf32, #tpu.memory_space<vmem>>[vector<16xi32>, vector<16xi32>], vector<16xf32>,
        %parallel_loop3A_196 = arith.constant 16 : i32
        %parallel_loop3A_197 = arith.muli %parallel_loop3A_187, %parallel_loop3A_196 : i32
        %parallel_loop3A_198 = arith.addi %multiple_of3A_176, %parallel_loop3A_197 : i32
        %parallel_loop3A_199 = arith.index_cast %parallel_loop3A_198 : i32 to index
        %parallel_loop3A_200 = tpu.vector_load %arg17[%parallel_loop3A_199] {strides = array<i32>} : memref<10000xf32, #tpu.memory_space<vmem>>, vector<16xf32>,
        tpu.vector_store %arg17[%parallel_loop3A_199], %parallel_loop3A_195 {strides = array<i32>} : memref<10000xf32, #tpu.memory_space<vmem>>, vector<16xf32>,
      } {sc.loop_unroll_factor = 5 : i64, sc.parallel_access}
      %add3A_180 = arith.constant 4 : i32
      %add3A_181 = arith.addi %add3A_160, %add3A_180 : i32
      %lt3A_182 = arith.constant 125 : i32
      %lt3A_183 = arith.cmpi slt, %add3A_181, %lt3A_182 : i32
      %convert_element_type3A_184 = arith.extui %lt3A_183 : i1 to i32
      %cond3A_185 = arith.constant 0 : i32
      %cond3A_186 = arith.cmpi ne, %convert_element_type3A_184, %cond3A_185 : i32
      scf.if %cond3A_186 {
        %mul3A_187 = arith.constant 80 : i32
        %mul3A_188 = arith.muli %add3A_181, %mul3A_187 : i32
        %multiple_of3A_189 = tpu.assume_multiple %mul3A_188, 8 : i32
        %dma_start3A_190 = tpu.memref_slice %arg6[%multiple_of3A_189] : memref<10000xi32, #tpu.memory_space<vmem>> -> memref<80xi32, #tpu.memory_space<vmem>>
        %dma_start3A_191 = arith.constant 0 : i32
        %dma_start3A_192 = arith.constant 0 : i32
        %dma_start3A_193 = tpu.memref_slice %arg18[%dma_start3A_191, %dma_start3A_192] : memref<10000x64xi32, #tpu.memory_space<vmem_shared>> -> memref<10000x64xi32, #tpu.memory_space<vmem_shared>>
        tpu.enqueue_indirect_dma source(%dma_start3A_193 : memref<10000x64xi32, #tpu.memory_space<vmem_shared>>) target(%arg11 : memref<80x64xi32, #tpu.memory_space<vmem>>) offsets(%dma_start3A_190 : memref<80xi32, #tpu.memory_space<vmem>>) semaphore(%arg23 : memref<!tpu.dma_semaphore, #tpu.memory_space<semaphore_mem>>)
        %dma_start3A_194 = tpu.memref_slice %arg7[%multiple_of3A_189] : memref<10000xi32, #tpu.memory_space<vmem>> -> memref<80xi32, #tpu.memory_space<vmem>>
        %dma_start3A_195 = arith.constant 0 : i32
        %dma_start3A_196 = arith.constant 0 : i32
        %dma_start3A_197 = tpu.memref_slice %arg18[%dma_start3A_195, %dma_start3A_196] : memref<10000x64xi32, #tpu.memory_space<vmem_shared>> -> memref<10000x64xi32, #tpu.memory_space<vmem_shared>>
        tpu.enqueue_indirect_dma source(%dma_start3A_197 : memref<10000x64xi32, #tpu.memory_space<vmem_shared>>) target(%arg15 : memref<80x64xi32, #tpu.memory_space<vmem>>) offsets(%dma_start3A_194 : memref<80xi32, #tpu.memory_space<vmem>>) semaphore(%arg27 : memref<!tpu.dma_semaphore, #tpu.memory_space<semaphore_mem>>)
      } else {
      }
    }
    %scan3A_55 = arith.constant 31 : i32
    %dma_wait3A_56 = arith.constant 0 : i32
    %dma_wait3A_57 = tpu.memref_slice %arg6[%dma_wait3A_56] : memref<10000xi32, #tpu.memory_space<vmem>> -> memref<80xi32, #tpu.memory_space<vmem>>
    %dma_wait3A_58 = arith.constant 0 : i32
    %dma_wait3A_59 = arith.constant 0 : i32
    %dma_wait3A_60 = tpu.memref_slice %arg18[%dma_wait3A_58, %dma_wait3A_59] : memref<10000x64xi32, #tpu.memory_space<vmem_shared>> -> memref<10000x64xi32, #tpu.memory_space<vmem_shared>>
    tpu.wait_indirect_dma semaphore(%arg20 : memref<!tpu.dma_semaphore, #tpu.memory_space<semaphore_mem>>) src(%dma_wait3A_60 : memref<10000x64xi32, #tpu.memory_space<vmem_shared>>) dst(%arg8 : memref<80x64xi32, #tpu.memory_space<vmem>>)
    %dma_wait3A_61 = arith.constant 0 : i32
    %dma_wait3A_62 = tpu.memref_slice %arg7[%dma_wait3A_61] : memref<10000xi32, #tpu.memory_space<vmem>> -> memref<80xi32, #tpu.memory_space<vmem>>
    %dma_wait3A_63 = arith.constant 0 : i32
    %dma_wait3A_64 = arith.constant 0 : i32
    %dma_wait3A_65 = tpu.memref_slice %arg18[%dma_wait3A_63, %dma_wait3A_64] : memref<10000x64xi32, #tpu.memory_space<vmem_shared>> -> memref<10000x64xi32, #tpu.memory_space<vmem_shared>>
    tpu.wait_indirect_dma semaphore(%arg24 : memref<!tpu.dma_semaphore, #tpu.memory_space<semaphore_mem>>) src(%dma_wait3A_65 : memref<10000x64xi32, #tpu.memory_space<vmem_shared>>) dst(%arg12 : memref<80x64xi32, #tpu.memory_space<vmem>>)
    %parallel_loop3A = arith.constant 0 : i32
    %parallel_loop3A_66 = arith.constant 80 : i32
    %parallel_loop3A_67 = arith.constant 1 : i32
    scf.for %parallel_loop3A_73 = %parallel_loop3A to %parallel_loop3A_66 step %parallel_loop3A_67  : i32 {
      %parallel_loop3A_74 = arith.index_cast %parallel_loop3A_73 : i32 to index
      %parallel_loop3A_75 = arith.constant 0 : index
      %parallel_loop3A_76 = tpu.vector_load %arg8[%parallel_loop3A_74, %parallel_loop3A_75] {strides = array<i32>} : memref<80x64xi32, #tpu.memory_space<vmem>>, vector<16xi32>,
      %parallel_loop3A_77 = vector.bitcast %parallel_loop3A_76 : vector<16xi32> to vector<32xbf16>
      %parallel_loop3A_78 = arith.index_cast %parallel_loop3A_73 : i32 to index
      %parallel_loop3A_79 = arith.constant 0 : index
      %parallel_loop3A_80 = tpu.vector_load %arg12[%parallel_loop3A_78, %parallel_loop3A_79] {strides = array<i32>} : memref<80x64xi32, #tpu.memory_space<vmem>>, vector<16xi32>,
      %parallel_loop3A_81 = vector.bitcast %parallel_loop3A_80 : vector<16xi32> to vector<32xbf16>
      %parallel_loop3A_82 = arith.mulf %parallel_loop3A_77, %parallel_loop3A_81 : vector<32xbf16>
      %parallel_loop3A_83 = arith.index_cast %parallel_loop3A_73 : i32 to index
      %parallel_loop3A_84 = arith.constant 16 : index
      %parallel_loop3A_85 = tpu.vector_load %arg8[%parallel_loop3A_83, %parallel_loop3A_84] {strides = array<i32>} : memref<80x64xi32, #tpu.memory_space<vmem>>, vector<16xi32>,
      %parallel_loop3A_86 = vector.bitcast %parallel_loop3A_85 : vector<16xi32> to vector<32xbf16>
      %parallel_loop3A_87 = arith.index_cast %parallel_loop3A_73 : i32 to index
      %parallel_loop3A_88 = arith.constant 16 : index
      %parallel_loop3A_89 = tpu.vector_load %arg12[%parallel_loop3A_87, %parallel_loop3A_88] {strides = array<i32>} : memref<80x64xi32, #tpu.memory_space<vmem>>, vector<16xi32>,
      %parallel_loop3A_90 = vector.bitcast %parallel_loop3A_89 : vector<16xi32> to vector<32xbf16>
      %parallel_loop3A_91 = arith.mulf %parallel_loop3A_86, %parallel_loop3A_90 : vector<32xbf16>
      %parallel_loop3A_92 = arith.addf %parallel_loop3A_82, %parallel_loop3A_91 : vector<32xbf16>
      %parallel_loop3A_93 = arith.index_cast %parallel_loop3A_73 : i32 to index
      %parallel_loop3A_94 = arith.constant 32 : index
      %parallel_loop3A_95 = tpu.vector_load %arg8[%parallel_loop3A_93, %parallel_loop3A_94] {strides = array<i32>} : memref<80x64xi32, #tpu.memory_space<vmem>>, vector<16xi32>,
      %parallel_loop3A_96 = vector.bitcast %parallel_loop3A_95 : vector<16xi32> to vector<32xbf16>
      %parallel_loop3A_97 = arith.index_cast %parallel_loop3A_73 : i32 to index
      %parallel_loop3A_98 = arith.constant 32 : index
      %parallel_loop3A_99 = tpu.vector_load %arg12[%parallel_loop3A_97, %parallel_loop3A_98] {strides = array<i32>} : memref<80x64xi32, #tpu.memory_space<vmem>>, vector<16xi32>,
      %parallel_loop3A_100 = vector.bitcast %parallel_loop3A_99 : vector<16xi32> to vector<32xbf16>
      %parallel_loop3A_101 = arith.mulf %parallel_loop3A_96, %parallel_loop3A_100 : vector<32xbf16>
      %parallel_loop3A_102 = arith.addf %parallel_loop3A_92, %parallel_loop3A_101 : vector<32xbf16>
      %parallel_loop3A_103 = arith.index_cast %parallel_loop3A_73 : i32 to index
      %parallel_loop3A_104 = arith.constant 48 : index
      %parallel_loop3A_105 = tpu.vector_load %arg8[%parallel_loop3A_103, %parallel_loop3A_104] {strides = array<i32>} : memref<80x64xi32, #tpu.memory_space<vmem>>, vector<16xi32>,
      %parallel_loop3A_106 = vector.bitcast %parallel_loop3A_105 : vector<16xi32> to vector<32xbf16>
      %parallel_loop3A_107 = arith.index_cast %parallel_loop3A_73 : i32 to index
      %parallel_loop3A_108 = arith.constant 48 : index
      %parallel_loop3A_109 = tpu.vector_load %arg12[%parallel_loop3A_107, %parallel_loop3A_108] {strides = array<i32>} : memref<80x64xi32, #tpu.memory_space<vmem>>, vector<16xi32>,
      %parallel_loop3A_110 = vector.bitcast %parallel_loop3A_109 : vector<16xi32> to vector<32xbf16>
      %parallel_loop3A_111 = arith.mulf %parallel_loop3A_106, %parallel_loop3A_110 : vector<32xbf16>
      %parallel_loop3A_112 = arith.addf %parallel_loop3A_102, %parallel_loop3A_111 : vector<32xbf16>
      %parallel_loop3A_113 = tpu.unpack_subelements %parallel_loop3A_112, 0 {pack_format = #tpu.pack_format<interleaved>} : vector<32xbf16> -> vector<16xf32>
      %parallel_loop3A_114 = tpu.unpack_subelements %parallel_loop3A_112, 1 {pack_format = #tpu.pack_format<interleaved>} : vector<32xbf16> -> vector<16xf32>
      %parallel_loop3A_115 = arith.addf %parallel_loop3A_113, %parallel_loop3A_114 : vector<16xf32>
      %parallel_loop3A_116 = arith.constant true
      %parallel_loop3A_117 = vector.broadcast %parallel_loop3A_116 : i1 to vector<16xi1>
      %parallel_loop3A_118 = tpu.scan <sum>, %parallel_loop3A_115 masked %parallel_loop3A_117 : vector<16xf32>, vector<16xi1> -> vector<16xf32>
      %parallel_loop3A_119 = arith.index_cast %parallel_loop3A_73 : i32 to index
      %parallel_loop3A_120 = arith.constant 0 : index
      %parallel_loop3A_121 = tpu.vector_load %arg16[%parallel_loop3A_119, %parallel_loop3A_120] {strides = array<i32>} : memref<80x17xf32, #tpu.memory_space<vmem>>, vector<16xf32>,
      tpu.vector_store %arg16[%parallel_loop3A_119, %parallel_loop3A_120], %parallel_loop3A_118 {strides = array<i32>} : memref<80x17xf32, #tpu.memory_space<vmem>>, vector<16xf32>,
    } {sc.loop_unroll_factor = 4 : i64, sc.parallel_access}
    %multiple_of3A_68 = arith.constant 9920 : i32
    %multiple_of3A_69 = tpu.assume_multiple %multiple_of3A_68, 8 : i32
    %parallel_loop3A_70 = arith.constant 0 : i32
    %parallel_loop3A_71 = arith.constant 5 : i32
    %parallel_loop3A_72 = arith.constant 1 : i32
    scf.for %parallel_loop3A_73 = %parallel_loop3A_70 to %parallel_loop3A_71 step %parallel_loop3A_72  : i32 {
      %parallel_loop3A_74 = arith.constant 16 : i32
      %parallel_loop3A_75 = arith.muli %parallel_loop3A_73, %parallel_loop3A_74 : i32
      %parallel_loop3A_76 = tpu.iota {dimensions = array<i32: 0>} : vector<16xi32>
      %parallel_loop3A_77 = vector.broadcast %parallel_loop3A_75 : i32 to vector<16xi32>
      %parallel_loop3A_78 = arith.addi %parallel_loop3A_77, %parallel_loop3A_76 : vector<16xi32>
      %parallel_loop3A_79 = arith.constant 15 : i32
      %parallel_loop3A_80 = vector.broadcast %parallel_loop3A_79 : i32 to vector<16xi32>
      %parallel_loop3A_81 = tpu.vector_load_idx %arg16[%parallel_loop3A_78, %parallel_loop3A_80] : memref<80x17xf32, #tpu.memory_space<vmem>>[vector<16xi32>, vector<16xi32>], vector<16xf32>,
      %parallel_loop3A_82 = arith.constant 16 : i32
      %parallel_loop3A_83 = arith.muli %parallel_loop3A_73, %parallel_loop3A_82 : i32
      %parallel_loop3A_84 = arith.addi %multiple_of3A_69, %parallel_loop3A_83 : i32
      %parallel_loop3A_85 = arith.index_cast %parallel_loop3A_84 : i32 to index
      %parallel_loop3A_86 = tpu.vector_load %arg17[%parallel_loop3A_85] {strides = array<i32>} : memref<10000xf32, #tpu.memory_space<vmem>>, vector<16xf32>,
      tpu.vector_store %arg17[%parallel_loop3A_85], %parallel_loop3A_81 {strides = array<i32>} : memref<10000xf32, #tpu.memory_space<vmem>>, vector<16xf32>,
    } {sc.loop_unroll_factor = 5 : i64, sc.parallel_access}
    "tpu.region"() ({
      %run_scoped3A = tpu.sem_alloc : memref<!tpu.dma_semaphore, #tpu.memory_space<semaphore_mem>>
      %dma_start3A_73 = tpu.memref_slice %arg5[%mul3A_2] : memref<320000xf32, #tpu.memory_space<hbm>> -> memref<10000xf32, #tpu.memory_space<hbm>>
      %dma_start3A_74 = tpu.memref_slice %arg5[%mul3A_2] : memref<320000xf32, #tpu.memory_space<hbm>> -> memref<10000xf32, #tpu.memory_space<hbm>>
      tpu.enqueue_dma source(%arg17 : memref<10000xf32, #tpu.memory_space<vmem>>) target(%dma_start3A_74 : memref<10000xf32, #tpu.memory_space<hbm>>) target_semaphore(%run_scoped3A : memref<!tpu.dma_semaphore, #tpu.memory_space<semaphore_mem>>)
      %dma_wait3A_75 = tpu.memref_slice %arg5[%mul3A_2] : memref<320000xf32, #tpu.memory_space<hbm>> -> memref<10000xf32, #tpu.memory_space<hbm>>
      %dma_wait3A_76 = tpu.memref_slice %arg5[%mul3A_2] : memref<320000xf32, #tpu.memory_space<hbm>> -> memref<10000xf32, #tpu.memory_space<hbm>>
      tpu.wait_dma2 semaphore(%run_scoped3A : memref<!tpu.dma_semaphore, #tpu.memory_space<semaphore_mem>>) src(%arg17 : memref<10000xf32, #tpu.memory_space<vmem>>) dst(%dma_wait3A_76 : memref<10000xf32, #tpu.memory_space<hbm>>)
      tpu.yield
    }) : () -> ()
    return
  }
}

</mosaic_0001>

<sc_bundles>
// kernel: kernel.3.cloned.1.call-start
scs
__scs_entry_jumppad:
0x0: {  	(pc) =	sbr.rel $0x88, $3  }
0x1: {  	(tag) =	ssettag $0x0;
	lr =	simm.s32 $0x1  }
0x2: {  	[smem:$0x3F9E] =	sst lr;
	_ =	strace $0xD0000000  }
0x3: {  	_ = 	snop  }
0x4: {  	_ = 	snop  }
0x5: {  	_ = 	snop  }
0x6: {  	_ = 	snop  }
0x7: {  	_ = 	snop  }
__scs_overlays_trampoline_lowered:
0x8: {  	[smem:$0x3FAD] =	sst s0  }
0x9: {  	[smem:$0x3FAE] =	sst s1  }
0xa: {  	[smem:$0x3FAF] =	sst s2  }
0xb: {  	[smem:$0x3FB0] =	sst s3  }
0xc: {  	[smem:$0x3FB1] =	sst s4  }
0xd: {  	[smem:$0x3FB2] =	sst s5  }
0xe: {  	[smem:$0x3FB3] =	sst s6  }
0xf: {  	[smem:$0x3FB4] =	sst s7  }
0x10: {  	[smem:$0x3FB5] =	sst s8  }
0x11: {  	[smem:$0x3FB6] =	sst s9;
	s0 =	simm.s32 @!p0 $0x0  }
0x12: {  	s1 =	sld [smem:$0x3F9C];
	s0 =	simm.s32 @p0 $0x1  }
0x13: {  	[smem:$0x3FB7] =	sst s0;
	s0 =	simm.s32 @!p1 $0x0  }
0x14: {  	s2 =	sld [smem:$0x3F9B];
	s0 =	simm.s32 @p1 $0x1  }
0x15: {  	[smem:$0x3FB8] =	sst s0;
	s0 =	simm.s32 @!p2 $0x0  }
0x16: {  	s3 =	sld [smem:$0x3FDB];
	s0 =	simm.s32 @p2 $0x1  }
0x17: {  	s4 =	simm.s32 $0x1BF5;
	[smem:$0x3FBA] =	sst s0  }
0x18: {  	s0 =	sld [smem:$0x3F9D];
	_ =	swait.ge [sflag:s4], $0x0  }
0x19: {  	s7 =	sld [smem:$0x3F9E]  }
0x1a: {  	s8 =	sadd.s32 $0xFFFFE003, lr  }
0x1b: {  	s9 =	sadd.s32 $0xFFFFFEF7, lr;
	s5 =	simm.s32 $0xFFFFFFFF;
	p2 =	slt.u32 s8, $0xFFFFF086  }
0x1c: {  	p1 =	slt.u32 s9, $0xF7A;
	s5 =	simm.s32 @!p2 $0x0  }
0x1d: {  	s5 =	simm.s32 @p1 $0x1;
	p0 =	seq.s32 s7, s2  }
0x1e: {  	s7 =	smul.u32 @!p0 $0xF7A, s2;
	p2 =	seq.s32 @!p0 s5, $0x0  }
0x1f: {  	s9 =	smul.u32 $0xF7A, s1;
	s8 =	simm.s32 @!p0 $0x1BF5;
	p2 =	por !p2, p0  }
0x20: {  	[sflag:s8] =	ssyncset.s32 @!p0 $0xFFFFF086;
	s6 =	sadd.s32 @!p0 s3, s7;
	s7 =	simm.s32 @!p0 $0x108  }
0x21: {  	s3 =	sadd.s32 s3, s9;
	s6 =	sadd.s32 @!p0 $0x88, s6;
	s7 =	simm.s32 @p2 $0x1082  }
0x22: {  	[simem:s7], [sflag:s8] =	dma.local @!p0 [hbm:s6], $0xF7A  }
0x23: {  	s9 =	sor.u32 $0xD0000000, s2;
	s6 =	simm.s32 $0x108;
	_ =	swait.ge @!p0 [sflag:s8], $0x0  }
0x24: {  	s3 =	sadd.s32 $0x88, s3;
	s6 =	simm.s32 @!p1 $0x1082;
	[sflag:s4] =	ssyncset.s32 $0xFFFFF086  }
0x25: {  	[simem:s6], [sflag:s4] =	dma.local [hbm:s3], $0xF7A  }
0x26: {  	[smem:$0x3F9E] =	sst s1;
	(tag) =	ssettag s2;
	_ =	strace s9  }
0x27: {  	s1 =	sld [smem:$0x3FAE]  }
0x28: {  	s2 =	sld [smem:$0x3FAF]  }
0x29: {  	s4 =	sld [smem:$0x3FB1]  }
0x2a: {  	p0 =	seq.s32 s5, $0x0;
	s5 =	sld [smem:$0x3FB2]  }
0x2b: {  	s6 =	sld [smem:$0x3FB3]  }
0x2c: {  	s7 =	sld [smem:$0x3FB4]  }
0x2d: {  	s3 =	simm.s32 $0x108;
	s8 =	sld [smem:$0x3FB5]  }
0x2e: {  	s3 =	simm.s32 @!p0 $0x1082;
	s9 =	sld [smem:$0x3FB6]  }
0x2f: {  	lr =	sadd.s32 s0, s3;
	s0 =	sld [smem:$0x3FAD]  }
0x30: {  	s3 =	sld [smem:$0x3FB0]  }
0x31: {  	[smem:$0x3FB9] =	sst s10  }
0x32: {  	s10 =	sld [smem:$0x3FB7];
	_ =	sdelay $0x3  }
0x33: {  	p0 =	seq.s32 s10, $0x1;
	s10 =	sld [smem:$0x3FB9];
	_ =	sdelay $0x3  }
0x34: {  	[smem:$0x3FB9] =	sst s10  }
0x35: {  	s10 =	sld [smem:$0x3FB8];
	_ =	sdelay $0x3  }
0x36: {  	p1 =	seq.s32 s10, $0x1;
	s10 =	sld [smem:$0x3FB9];
	_ =	sdelay $0x3  }
0x37: {  	[smem:$0x3FB9] =	sst s10  }
0x38: {  	s10 =	sld [smem:$0x3FBA]  }
0x39: {  	_ = 	snop;
	(pc) =	sbr.ind lr, $3  }
0x3a: {  	_ = 	snop  }
0x3b: {  	_ = 	snop  }
0x3c: {  	p2 =	seq.s32 s10, $0x1;
	s10 =	sld [smem:$0x3FB9]  }
0x3d: {  	_ =	shalt  }
0x3e: {  	_ =	shalt  }
0x3f: {  	_ =	shalt  }
0x40: {  	_ =	shalt  }
0x41: {  	_ =	shalt  }
0x42: {  	_ =	shalt  }
0x43: {  	_ =	shalt  }
0x44: {  	_ =	shalt  }
0x45: {  	_ =	shalt  }
0x46: {  	_ =	shalt  }
0x47: {  	_ =	shalt  }
0x48: {  	_ =	shalt  }
0x49: {  	_ =	shalt  }
0x4a: {  	_ =	shalt  }
0x4b: {  	_ =	shalt  }
0x4c: {  	_ =	shalt  }
0x4d: {  	_ =	shalt  }
0x4e: {  	_ =	shalt  }
0x4f: {  	_ =	shalt  }
0x50: {  	_ =	shalt  }
0x51: {  	_ =	shalt  }
0x52: {  	_ =	shalt  }
0x53: {  	_ =	shalt  }
0x54: {  	_ =	shalt  }
0x55: {  	_ =	shalt  }
0x56: {  	_ =	shalt  }
0x57: {  	_ =	shalt  }
0x58: {  	_ =	shalt  }
0x59: {  	_ =	shalt  }
0x5a: {  	_ =	shalt  }
0x5b: {  	_ =	shalt  }
0x5c: {  	_ =	shalt  }
0x5d: {  	_ =	shalt  }
0x5e: {  	_ =	shalt  }
0x5f: {  	_ =	shalt  }
0x60: {  	_ =	shalt  }
0x61: {  	_ =	shalt  }
0x62: {  	_ =	shalt  }
0x63: {  	_ =	shalt  }
0x64: {  	_ =	shalt  }
0x65: {  	_ =	shalt  }
0x66: {  	_ =	shalt  }
0x67: {  	_ =	shalt  }
0x68: {  	_ =	shalt  }
0x69: {  	_ =	shalt  }
0x6a: {  	_ =	shalt  }
0x6b: {  	_ =	shalt  }
0x6c: {  	_ =	shalt  }
0x6d: {  	_ =	shalt  }
0x6e: {  	_ =	shalt  }
0x6f: {  	_ =	shalt  }
0x70: {  	_ =	shalt  }
0x71: {  	_ =	shalt  }
0x72: {  	_ =	shalt  }
0x73: {  	_ =	shalt  }
0x74: {  	_ =	shalt  }
0x75: {  	_ =	shalt  }
0x76: {  	_ =	shalt  }
0x77: {  	_ =	shalt  }
0x78: {  	_ =	shalt  }
0x79: {  	_ =	shalt  }
0x7a: {  	_ =	shalt  }
0x7b: {  	_ =	shalt  }
0x7c: {  	_ =	shalt  }
0x7d: {  	_ =	shalt  }
0x7e: {  	_ =	shalt  }
0x7f: {  	_ =	shalt  }
0x80: {  	_ =	shalt  }
0x81: {  	_ =	shalt  }
0x82: {  	_ =	shalt  }
0x83: {  	_ =	shalt  }
0x84: {  	_ =	shalt  }
0x85: {  	_ =	shalt  }
0x86: {  	_ =	shalt  }
0x87: {  	_ =	shalt  }
.Lfunc_end0:
.L_simem_size_0:
called_computation_lowered:
.L_overlay_start_0:
0x88: {  	s2 =	sld [smem:$0x3FD9]  }
0x89: {  	s3 =	sld [smem:$0x3FFE];
	_ =	sdelay $0x1  }
0x8a: {  	s1 =	srdreg.scid  }
0x8b: {  	s0 =	sand.u32 $0x1, s1  }
0x8c: {  	s17 =	sshll.u32 s0, $0xA;
	s2 =	sadd.s32 s3, s2  }
0x8d: {  	s2 =	sadd.s32 s2, s17  }
0x8e: {  	[smem:$0x3FC5] =	sst s2  }
0x8f: {  	_ = 	snop  }
0x90: {  	s2 =	sld [smem:$0x3FC8]  }
0x91: {  	s18 =	sld [smem:$0x3FC7];
	(tm) =	ssettm $0x1  }
0x92: {  	s4 =	sld [smem:$0x3FFB];
	_ =	sdelay $0x3  }
0x93: {  	_ =	strace s4  }
0x94: {  	s4 =	sld [smem:$0x3FFC];
	_ =	sdelay $0x3  }
0x95: {  	_ =	strace s4  }
0x96: {  	s4 =	sld [smem:$0x3FFD];
	_ =	sdelay $0x3  }
0x97: {  	_ =	strace s4  }
0x98: {  	_ =	strace $0x8FFFFFFF  }
0x99: {  	s19 =	sld [smem:$0x3FDB];
	_ =	sdelay $0x1  }
0x9a: {  	s5 =	simm.s32 $_scs_section_size  }
0x9b: {  	s6 =	simm.s32 $_size__tile_overlayer_lowered;
	s7 =	simm.s32 $_tile_overlayer_lowered  }
0x9c: {  	s22 =	simm.s32 $0x1BFF;
	s21 =	sshll.u32 s7, $0x1;
	s4 =	sadd.s32 s5, s19  }
0x9d: {  	s8 =	simm.s32 $0x0;
	s20 =	sshll.u32 s6, $0x1;
	s6 =	sadd.s32 s21, s4  }
0x9e: {  	[timem:s8], [sflag:s22] =	dma.local [hbm:s6], s20  }
0x9f: {  	_ =	swait.ge [sflag:s22], s20  }
0xa0: {  	s5 =	ssub.s32 $0x0, s20;
	[sflag:s22] =	ssyncset.done $0x0  }
0xa1: {  	[sflag:s22] =	ssyncadd.s32 s5;
	_ =	sdelay $0x1  }
0xa2: {  	s23 =	simm.s32 $0x1B8B  }
0xa3: {  	_ =	swait.ge [sflag:s23], $0x1  }
0xa4: {  	[sflag:s23] =	ssyncset.done $0x0  }
0xa5: {  	s25 =	simm.s32 $0x1B8E;
	s24 =	sld [smem:$0x3FFE];
	[sflag:s23] =	ssyncadd.s32 $0xFFFFFFFF  }
0xa6: {  	s26 =	simm.s32 $execute0_lowered;
	[smem:$0x3FD2] =	sst s25  }
0xa7: {  	s6 =	sshll.u32 s26, $0x1;
	_ =	strace $0x80000046;
	[dreg:$0x1] =	wrdreg $0xFFFFFFFF  }
0xa8: {  	s28 =	simm.s32 $_size_execute0_lowered;
	s4 =	sadd.s32 s4, s6;
	[dreg:$0x0] =	wrdreg $0x0  }
0xa9: {  	s6 =	sshll.u32 s28, $0x1;
	[dreg:$0x2] =	wrdreg s4  }
0xaa: {  	[dreg:$0x3] =	wrdreg s6  }
0xab: {  	[dreg:$0x4] =	wrdreg $0xC0  }
0xac: {  	_ =	task [dreg:s8], $0x5FFFF  }
0xad: {  	[dreg:$0x1] =	wrdreg $0xFFFFFFFF  }
0xae: {  	[dreg:$0x0] =	wrdreg $0x60  }
0xaf: {  	[dreg:$0x2] =	wrdreg s24  }
0xb0: {  	[dreg:$0x3] =	wrdreg s2  }
0xb1: {  	[dreg:$0x4] =	wrdreg s18  }
0xb2: {  	[dreg:$0x5] =	wrdreg $0x11CB00  }
0xb3: {  	[dreg:$0x6] =	wrdreg $0x9  }
0xb4: {  	_ =	task.clear_ibuf [dreg:s8], $0x7FFFF;
	_ =	strace $0x90000046  }
0xb5: {  	s29 =	simm.s32 $0x9;
	_ =	strace $0x80000048  }
0xb6: {  	_ =	swait.ge [sflag:s29], $0x1  }
0xb7: {  	[sflag:s29] =	ssyncadd.s32 $0xFFFFFFFF  }
0xb8: {  	_ =	strace $0x90000048  }
0xb9: {  	_ =	sfence  }
0xba: {  	s30 =	sld [smem:$0x0];
	_ =	sdelay $0x2  }
0xbb: {  	s31 =	sshll.u32 s1, $0xD;
	s1 =	sshrl.u32 s1, $0x2  }
0xbc: {  	s3 =	sand.u32 $0x4000, s31;
	s1 =	sadd.s32 s1, s30  }
0xbd: {  	s0 =	sor.u32 s3, s0;
	s1 =	sshll.u32 s1, $0x11  }
0xbe: {  	s0 =	sor.u32 s1, s0  }
0xbf: {  	s0 =	sadd.s32 $0x8F2B, s0  }
0xc0: {  	[sflag:s0] =	ssyncadd.remote.s32 $0x1  }
0xc1: {  	_ =	sfence.sel $0xFFFF  }
0xc2: {  	[dreg:$0x0] =	wrdreg $0xFFFFFFFF;
	(pc) =	sbr.abs _section_cstart, $3  }
0xc3: {  	[dreg:$0x1] =	wrdreg $0xFFFFFFFF  }
0xc4: {  	_ =	task.clear_ibuf [dreg:s8], $0x2FFFF;
	_ =	strace $0x9FFFFFFF  }
0xc5: {  	(tm) =	ssettm $0x7FFFFFFF  }
tec
execute0_lowered:
.L_overlay_start_1:
0x0: {  	(tag) =	ssettag $0x1  }
0x1: {  	s0 =	rddreg [dreg:$0x0]  }
0x2: {  	s1 =	rddreg [dreg:$0x1]  }
0x3: {  	s2 =	srdreg.scid;
	s10 =	stileid.u32  }
0x4: {  	s4 =	rddreg [dreg:$0x2];
	s13 =	simm.s32 $0x1;
	s14 =	simm.s32 $0x50  }
0x5: {  	s15 =	simm.s32 $0x4E20;
	s16 =	simm.s32 $0x9E20;
	s28 =	simm.s32 $0xDA20  }
0x6: {  	s29 =	simm.s32 $0x2;
	s30 =	simm.s32 $0x6;
	s31 =	simm.s32 $0xEE20  }
0x7: {  	s17 =	simm.s32 $0x4;
	s18 =	simm.s32 $0x8;
	s19 =	simm.s32 $0x5  }
0x8: {  	s20 =	simm.s32 $0x9;
	s22 =	simm.s32 $0x0;
	s5 =	sand.u32 $0x1, s2  }
0x9: {  	s3 =	sshll.u32 s10, $0x1;
	s2 =	rddreg [dreg:$0x3];
	s25 =	smul.u32 $0x9C40, s10  }
0xa: {  	s10 =	sshll.u32 s10, $0x6;
	s6 =	sor.u32 s5, s3;
	s3 =	simm.s32 $0x0  }
0xb: {  	s5 =	ssub.s32 $0x2, s5;
	s7 =	smul.u32 $0x4E2, s6;
	[smem:$0x7FF] =	sst s3  }
0xc: {  	s9 =	sshrl.u32 s5, $0x1;
	s26 =	sshrl.u32 s25, $0x3;
	s11 =	sadd.s32 s25, s2  }
0xd: {  	v0 =	vlaneseq.u32;
	s25 =	simm.s32 $0x8A20;
	_ =	strace $0x80000047;
	s9 =	ssub.s32 s5, s9  }
0xe: {  	v4 =	vmul.u32 $0x18, v0;
	s5 =	sor.u32 $0x1C01, s10;
	s10 =	sshrl.u32 s11, $0x3;
	s11 =	simm.s32 $0xA  }
0xf: {  	s8 =	sadd.s32 s7, s0;
	s0 =	sadd.s32 s0, s26;
	s6 =	sadd.s32 s1, s7  }
0x10: {  	v0 =	vadd.s32 $0xF, v4;
	v1 =	vadd.s32 $0x18F, v4;
	s7 =	sadd.s32 s4, s7;
	s9 =	smax.u32 s9, $0x1;
	s1 =	simm.s32 $0x3  }
0x11: {  	v2 =	vadd.s32 $0x30F, v4;
	v3 =	vadd.s32 $0x48F, v4;
	v4 =	vadd.s32 $0x60F, v4;
	[dreg:$0x5] =	wrdreg s0;
	s8 =	sadd.s32 $0x13A00, s8;
	s0 =	simm.s32 $0x7  }
.LBB2_1:
0x12: {  	s4 =	rddreg [dreg:$0x5]  }
0x13: {  	[spmem:s10], [sflag:s5] =	dma.local [hbm:s4], $0x1388  }
0x14: {  	[tilespmem:s3], [sflag:$0xA] =	stream.linear.gather [hbm4b:s6+s3], $0x2710, $0x38;
	[tilespmem:$0x1B8F0] =	vst v63  }
0x15: {  	_ =	swait.ge [sflag:s11], $0x2710  }
0x16: {  	[sflag:s11] =	ssyncset.done $0x0  }
0x17: {  	s12 =	simm.s32 $0x2710;
	[sflag:s11] =	ssyncadd.s32 $0xFFFFD8F0  }
0x18: {  	[tilespmem:s12], [sflag:$0xA] =	stream.linear.gather [hbm4b:s7+s3], $0x2710, $0x38;
	[tilespmem:$0x1B8F0] =	vst v63  }
0x19: {  	_ =	swait.ge [sflag:s11], $0x2710  }
0x1a: {  	[sflag:s11] =	ssyncset.done $0x0  }
0x1b: {  	[sflag:s11] =	ssyncadd.s32 $0xFFFFD8F0  }
0x1c: {  	_ =	swait.ge [sflag:s13], $0x1388  }
0x1d: {  	[sflag:s13] =	ssyncset.done $0x0  }
0x1e: {  	[sflag:s13] =	ssyncadd.s32 $0xFFFFEC78  }
0x1f: {  	[bflag:$0x0] =	sbarrier.arrive $0xFFFF  }
0x20: {  	[tilespmem:s15], [sflag:$0x2] =	stream.indirect.gather [spmem:s2], $0x40, s3, s14, $0xb8;
	[tilespmem:$0x1B8F0] =	vst v63  }
0x21: {  	_ = 	snop  }
0x22: {  	[tilespmem:s16], [sflag:$0x6] =	stream.indirect.gather [spmem:s2], $0x40, s12, s14, $0xb8;
	[tilespmem:$0x1B8F0] =	vst v63  }
0x23: {  	s21 =	simm.s32 $0x6220  }
0x24: {  	[tilespmem:s21], [sflag:$0x3] =	stream.indirect.gather [spmem:s2], $0x40, s14, s14, $0xb8;
	[tilespmem:$0x1B8F0] =	vst v63  }
0x25: {  	s23 =	simm.s32 $0x2760;
	s12 =	simm.s32 $0xB220  }
0x26: {  	[tilespmem:s12], [sflag:$0x7] =	stream.indirect.gather [spmem:s2], $0x40, s23, s14, $0xb8;
	[tilespmem:$0x1B8F0] =	vst v63  }
0x27: {  	s24 =	simm.s32 $0xA0;
	s26 =	simm.s32 $0x7620  }
0x28: {  	[tilespmem:s26], [sflag:$0x4] =	stream.indirect.gather [spmem:s2], $0x40, s24, s14, $0xb8;
	[tilespmem:$0x1B8F0] =	vst v63  }
0x29: {  	s21 =	simm.s32 $0x27B0;
	s23 =	simm.s32 $0xC620  }
0x2a: {  	[tilespmem:s23], [sflag:$0x8] =	stream.indirect.gather [spmem:s2], $0x40, s21, s14, $0xb8;
	[tilespmem:$0x1B8F0] =	vst v63  }
0x2b: {  	s24 =	simm.s32 $0xF0  }
0x2c: {  	[tilespmem:s25], [sflag:$0x5] =	stream.indirect.gather [spmem:s2], $0x40, s24, s14, $0xb8;
	[tilespmem:$0x1B8F0] =	vst v63  }
0x2d: {  	s26 =	simm.s32 $0x2800;
	s23 =	simm.s32 $0x0  }
0x2e: {  	[tilespmem:s28], [sflag:$0x9] =	stream.indirect.gather [spmem:s2], $0x40, s26, s14, $0xb8;
	[tilespmem:$0x1B8F0] =	vst v63  }
.LBB2_2:
0x2f: {  	_ =	swait.ge [sflag:s29], $0x1400  }
0x30: {  	[sflag:s29] =	ssyncset.done $0x0  }
0x31: {  	[sflag:s29] =	ssyncadd.s32 $0xFFFFEC00  }
0x32: {  	_ =	swait.ge [sflag:s30], $0x1400  }
0x33: {  	[sflag:s30] =	ssyncset.done $0x0  }
0x34: {  	s4 =	simm.s32 $0x4EA0;
	[sflag:s30] =	ssyncadd.s32 $0xFFFFEC00  }
0x35: {  	s24 =	simm.s32 $0x9EA0;
	v5 =	vld [tilespmem:s4+$0x40]  }
0x36: {  	v6 =	vld [tilespmem:s24+$0x40]  }
0x37: {  	v7 =	vld [tilespmem:s4+$0x50]  }
0x38: {  	v8 =	vld [tilespmem:s24+$0x50]  }
0x39: {  	v9 =	vld [tilespmem:s4+$0x60]  }
0x3a: {  	v10 =	vld [tilespmem:s24+$0x60]  }
0x3b: {  	v11 =	vld [tilespmem:s4+$0x70]  }
0x3c: {  	v12 =	vld [tilespmem:s24+$0x70]  }
0x3d: {  	v13 =	vld [tilespmem:s24+$0xFFFFFF80]  }
0x3e: {  	v14 =	vld [tilespmem:s24+$0x0];
	v5 =	vmul.bf16 v6, v5;
	v6 =	vmul.bf16 v8, v7  }
0x3f: {  	v16 =	vld [tilespmem:s4+$0x10]  }
0x40: {  	v17 =	vld [tilespmem:s4+$0xFFFFFF80];
	v5 =	vadd.bf16 v6, v5;
	v6 =	vmul.bf16 v10, v9  }
0x41: {  	v18 =	vld [tilespmem:s4+$0xFFFFFFA0]  }
0x42: {  	v19 =	vld [tilespmem:s24+$0xFFFFFFA0];
	v5 =	vadd.bf16 v6, v5;
	v6 =	vmul.bf16 v12, v11  }
0x43: {  	v20 =	vld [tilespmem:s4+$0xFFFFFFE0]  }
0x44: {  	v7 =	vld [tilespmem:s4+$0xFFFFFF90];
	v5 =	vadd.bf16 v6, v5  }
0x45: {  	v9 =	vld [tilespmem:s4+$0xFFFFFFC0]  }
0x46: {  	v10 =	vld [tilespmem:s24+$0xFFFFFFC0];
	v15 =	vunpack.i.u.bf16.f32 v5;
	v5 =	vunpack.i.l.bf16.f32 v5  }
0x47: {  	v11 =	vld [tilespmem:s4+$0xFFFFFFD0];
	v5 =	vadd.f32 v5, v15  }
0x48: {  	v12 =	vld [tilespmem:s24+$0xFFFFFFD0]  }
0x49: {  	v8 =	vld [tilespmem:s24+$0xFFFFFF90];
	(xrf2) =	vadd.scan.msk.f32 $0xffff, v5  }
0x4a: {  	v21 =	vld [tilespmem:s24+$0xFFFFFFE0]  }
0x4b: {  	v6 =	vld [tilespmem:s4+$0x0]  }
0x4c: {  	v15 =	vld [tilespmem:s24+$0x10]  }
0x4d: {  	v22 =	vld [tilespmem:s4+$0x20];
	v9 =	vmul.bf16 v10, v9;
	v10 =	vmul.bf16 v12, v11  }
0x4e: {  	v23 =	vld [tilespmem:s24+$0x20];
	v11 =	vmul.bf16 v8, v7;
	v12 =	vmul.bf16 v13, v17  }
0x4f: {  	v8 =	vld [tilespmem:s24+$0xFFFFFFB0]  }
0x50: {  	v13 =	vmul.bf16 v19, v18;
	v5 =	vld [tilespmem:s4+$0xFFFFFFB0];
	v6 =	vmul.bf16 v14, v6;
	v11 =	vadd.bf16 v11, v12  }
0x51: {  	v7 =	vld [tilespmem:s4+$0xFFFFFFF0];
	v9 =	vadd.bf16 v10, v9;
	v14 =	vmul.bf16 v21, v20;
	v10 =	vmul.bf16 v15, v16  }
0x52: {  	v12 =	vld [tilespmem:s24+$0xFFFFFFF0];
	v11 =	vadd.bf16 v13, v11  }
0x53: {  	s26 =	simm.s32 $0xEE50;
	v9 =	vadd.bf16 v14, v9;
	v14 =	vmul.bf16 v23, v22;
	v13 =	vld [tilespmem:s24+$0x30];
	v6 =	vadd.bf16 v10, v6;
	v15, _, _ =	vpop (xrf2)  }
0x54: {  	s21 =	simm.s32 $0x0;
	s12 =	simm.s32 $0x4FA0;
	v10 =	vld [tilespmem:s4+$0x30];
	[tilespmem:s26+$0x18] =	vst v15  }
.LBB2_3:
0x55: {  	v15 =	vld [tilespmem:s12+$0x40];
	v5 =	vmul.bf16 v8, v5;
	v6 =	vadd.bf16 v14, v6;
	s24 =	sadd.s32 $0x100, s24  }
0x56: {  	v8 =	vld [tilespmem:s24+$0x40]  }
0x57: {  	v14 =	vld [tilespmem:s12+$0x50];
	v5 =	vadd.bf16 v5, v11;
	v7 =	vmul.bf16 v12, v7  }
0x58: {  	s21 =	sadd.s32 $0x4, s21;
	v11 =	vld [tilespmem:s24+$0x50]  }
0x59: {  	p0 =	slt.u32 s21, $0x4C;
	v12 =	vld [tilespmem:s12+$0x60];
	v16 =	vunpack.i.u.bf16.f32 v5;
	v7 =	vadd.bf16 v7, v9;
	v9 =	vmul.bf16 v13, v10  }
0x5a: {  	v5 =	vunpack.i.l.bf16.f32 v5;
	v10 =	vld [tilespmem:s24+$0x60]  }
0x5b: {  	v13 =	vld [tilespmem:s12+$0x70];
	v17 =	vunpack.i.u.bf16.f32 v7;
	v7 =	vunpack.i.l.bf16.f32 v7;
	v6 =	vadd.bf16 v9, v6  }
0x5c: {  	v5 =	vadd.f32 v5, v16;
	v9 =	vld [tilespmem:s24+$0x70];
	v7 =	vadd.f32 v7, v17  }
0x5d: {  	v8 =	vmul.bf16 v8, v15;
	v16 =	vld [tilespmem:s24+$0xFFFFFF80];
	v11 =	vmul.bf16 v11, v14;
	v14 =	vunpack.i.u.bf16.f32 v6  }
0x5e: {  	v6 =	vunpack.i.l.bf16.f32 v6;
	v15 =	vld [tilespmem:s12+$0xFFFFFF90];
	(xrf2) =	vadd.scan.msk.f32 $0xffff, v5  }
0x5f: {  	v6 =	vadd.f32 v6, v14;
	v5 =	vld [tilespmem:s24+$0xFFFFFF90];
	v8 =	vadd.bf16 v11, v8;
	v10 =	vmul.bf16 v10, v12  }
0x60: {  	v11 =	vld [tilespmem:s12+$0xFFFFFFC0]  }
0x61: {  	v12 =	vld [tilespmem:s24+$0xFFFFFFC0];
	v8 =	vadd.bf16 v10, v8;
	v9 =	vmul.bf16 v9, v13;
	(xrf2) =	vadd.scan.msk.f32 $0xffff, v7  }
0x62: {  	v7 =	vld [tilespmem:s12+$0xFFFFFFD0]  }
0x63: {  	v10 =	vld [tilespmem:s24+$0xFFFFFFD0];
	v8 =	vadd.bf16 v9, v8  }
0x64: {  	v5 =	vmul.bf16 v5, v15;
	v9 =	vld [tilespmem:s12+$0x0];
	(xrf2) =	vadd.scan.msk.f32 $0xffff, v6  }
0x65: {  	v6 =	vld [tilespmem:s24+$0x0];
	v13 =	vunpack.i.u.bf16.f32 v8;
	v8 =	vunpack.i.l.bf16.f32 v8  }
0x66: {  	v11 =	vmul.bf16 v12, v11;
	v12 =	vld [tilespmem:s12+$0x10];
	v15 =	vadd.f32 v8, v13  }
0x67: {  	v13 =	vld [tilespmem:s24+$0x10]  }
0x68: {  	v14 =	vld [tilespmem:s12+$0xFFFFFF80];
	v7 =	vmul.bf16 v10, v7;
	(xrf2) =	vadd.scan.msk.f32 $0xffff, v15;
	v8, _, _ =	vpop (xrf2)  }
0x69: {  	v10 =	vld [tilespmem:s12+$0xFFFFFFA0];
	[tilespmem:s26+$0xFFFFFFD0] =	vst v8  }
0x6a: {  	v8 =	vld [tilespmem:s24+$0xFFFFFFA0];
	v15 =	vadd.bf16 v7, v11;
	v6 =	vmul.bf16 v6, v9  }
0x6b: {  	v7 =	vld [tilespmem:s12+$0xFFFFFFE0];
	v9, _, _ =	vpop (xrf2)  }
0x6c: {  	v17 =	vld [tilespmem:s24+$0xFFFFFFE0];
	v12 =	vmul.bf16 v13, v12;
	[tilespmem:s26+$0xFFFFFFE8] =	vst v9  }
0x6d: {  	v9 =	vmul.bf16 v16, v14;
	v13 =	vld [tilespmem:s12+$0x20]  }
0x6e: {  	v6 =	vadd.bf16 v12, v6;
	v14 =	vld [tilespmem:s24+$0x20];
	v11, _, _ =	vpop (xrf2)  }
0x6f: {  	v9 =	vadd.bf16 v5, v9;
	v10 =	vmul.bf16 v8, v10;
	v5 =	vld [tilespmem:s12+$0xFFFFFFB0];
	[tilespmem:s26+$0x0] =	vst v11  }
.Ltmp0:
0x70: {  	v8 =	vld [tilespmem:s24+$0xFFFFFFB0];
	(pc) =	sbr.rel @p0 .LBB2_3-.Ltmp0, $4  }
0x71: {  	v11 =	vadd.bf16 v10, v9;
	v9 =	vmul.bf16 v17, v7;
	v7 =	vld [tilespmem:s12+$0xFFFFFFF0]  }
0x72: {  	s26 =	sadd.s32 $0x60, s26;
	v12 =	vld [tilespmem:s24+$0xFFFFFFF0];
	v16, _, _ =	vpop (xrf2)  }
0x73: {  	v9 =	vadd.bf16 v9, v15;
	v14 =	vmul.bf16 v14, v13;
	v10 =	vld [tilespmem:s12+$0x30];
	[tilespmem:s26+$0x18] =	vst v16  }
0x74: {  	s12 =	sadd.s32 $0x100, s12;
	v13 =	vld [tilespmem:s24+$0x30]  }
0x75: {  	_ =	sdelay $0x1  }
0x76: {  	v5 =	vmul.bf16 v8, v5  }
0x77: {  	v7 =	vmul.bf16 v12, v7  }
0x78: {  	v6 =	vadd.bf16 v14, v6;
	v5 =	vadd.bf16 v5, v11;
	v8 =	vmul.bf16 v13, v10  }
0x79: {  	v7 =	vadd.bf16 v7, v9  }
0x7a: {  	v9 =	vunpack.i.u.bf16.f32 v5;
	v5 =	vunpack.i.l.bf16.f32 v5;
	v6 =	vadd.bf16 v8, v6  }
0x7b: {  	v5 =	vadd.f32 v5, v9;
	v8 =	vunpack.i.u.bf16.f32 v7;
	v7 =	vunpack.i.l.bf16.f32 v7  }
0x7c: {  	v7 =	vadd.f32 v7, v8;
	v8 =	vunpack.i.u.bf16.f32 v6;
	v6 =	vunpack.i.l.bf16.f32 v6  }
0x7d: {  	(xrf2) =	vadd.scan.msk.f32 $0xffff, v5;
	v5 =	vadd.f32 v6, v8  }
0x7e: {  	(xrf2) =	vadd.scan.msk.f32 $0xffff, v7  }
0x7f: {  	(xrf2) =	vadd.scan.msk.f32 $0xffff, v5;
	_ =	sdelay $0x7  }
0x80: {  	v5, _, _ =	vpop (xrf2)  }
0x81: {  	[tilespmem:s26+$0xFFFFFFD0] =	vst v5;
	v5, _, _ =	vpop (xrf2)  }
0x82: {  	[tilespmem:s26+$0xFFFFFFE8] =	vst v5;
	v5, _, _ =	vpop (xrf2)  }
0x83: {  	[tilespmem:s26+$0x0] =	vst v5  }
0x84: {  	v5 =	vld.idx.msk [tilespmem:v0+s31+$0x0], $0xffff  }
0x85: {  	v6 =	vld.idx.msk [tilespmem:v1+s31+$0x0], $0xffff  }
0x86: {  	v7 =	vld.idx.msk [tilespmem:v2+s31+$0x0], $0xffff  }
0x87: {  	s24 =	smul.u32 $0x140, s23;
	v8 =	vld.idx.msk [tilespmem:v3+s31+$0x0], $0xffff  }
0x88: {  	v9 =	vld.idx.msk [tilespmem:v4+s31+$0x0], $0xffff  }
0x89: {  	[tilespmem:s24+$0xF5A0] =	vst v5  }
0x8a: {  	[tilespmem:s24+$0xF5B0] =	vst v6  }
0x8b: {  	[tilespmem:s24+$0xF5C0] =	vst v7  }
0x8c: {  	[tilespmem:s24+$0xF5D0] =	vst v8  }
0x8d: {  	s4 =	sadd.s32 $0x140, s24;
	[tilespmem:s24+$0xF5E0] =	vst v9  }
0x8e: {  	[tilespmem:s15], [sflag:$0x2] =	stream.indirect.gather [spmem:s2], $0x40, s4, s14, $0xb8;
	[tilespmem:$0x1B8F0] =	vst v63  }
0x8f: {  	s26 =	sadd.s32 $0x2850, s24  }
0x90: {  	[tilespmem:s16], [sflag:$0x6] =	stream.indirect.gather [spmem:s2], $0x40, s26, s14, $0xb8;
	[tilespmem:$0x1B8F0] =	vst v63  }
0x91: {  	_ =	swait.ge [sflag:s1], $0x1400  }
0x92: {  	[sflag:s1] =	ssyncset.done $0x0  }
0x93: {  	[sflag:s1] =	ssyncadd.s32 $0xFFFFEC00  }
0x94: {  	_ =	swait.ge [sflag:s0], $0x1400  }
0x95: {  	[sflag:s0] =	ssyncset.done $0x0  }
0x96: {  	s12 =	simm.s32 $0x62A0;
	[sflag:s0] =	ssyncadd.s32 $0xFFFFEC00  }
0x97: {  	s26 =	simm.s32 $0xB2A0;
	v5 =	vld [tilespmem:s12+$0x40]  }
0x98: {  	v6 =	vld [tilespmem:s26+$0x40]  }
0x99: {  	v7 =	vld [tilespmem:s12+$0x50]  }
0x9a: {  	v8 =	vld [tilespmem:s26+$0x50]  }
0x9b: {  	v9 =	vld [tilespmem:s12+$0x60]  }
0x9c: {  	v10 =	vld [tilespmem:s26+$0x60]  }
0x9d: {  	v11 =	vld [tilespmem:s12+$0x70]  }
0x9e: {  	v12 =	vld [tilespmem:s26+$0x70]  }
0x9f: {  	v13 =	vld [tilespmem:s26+$0xFFFFFF80]  }
0xa0: {  	v14 =	vld [tilespmem:s26+$0x0];
	v5 =	vmul.bf16 v6, v5;
	v6 =	vmul.bf16 v8, v7  }
0xa1: {  	v16 =	vld [tilespmem:s12+$0x10]  }
0xa2: {  	v17 =	vld [tilespmem:s12+$0xFFFFFF80];
	v5 =	vadd.bf16 v6, v5;
	v6 =	vmul.bf16 v10, v9  }
0xa3: {  	v18 =	vld [tilespmem:s12+$0xFFFFFFA0]  }
0xa4: {  	v19 =	vld [tilespmem:s26+$0xFFFFFFA0];
	v5 =	vadd.bf16 v6, v5;
	v6 =	vmul.bf16 v12, v11  }
0xa5: {  	v20 =	vld [tilespmem:s12+$0xFFFFFFE0]  }
0xa6: {  	v7 =	vld [tilespmem:s12+$0xFFFFFF90];
	v5 =	vadd.bf16 v6, v5  }
0xa7: {  	v9 =	vld [tilespmem:s12+$0xFFFFFFC0]  }
0xa8: {  	v10 =	vld [tilespmem:s26+$0xFFFFFFC0];
	v15 =	vunpack.i.u.bf16.f32 v5;
	v5 =	vunpack.i.l.bf16.f32 v5  }
0xa9: {  	v11 =	vld [tilespmem:s12+$0xFFFFFFD0];
	v5 =	vadd.f32 v5, v15  }
0xaa: {  	v12 =	vld [tilespmem:s26+$0xFFFFFFD0]  }
0xab: {  	v8 =	vld [tilespmem:s26+$0xFFFFFF90];
	(xrf2) =	vadd.scan.msk.f32 $0xffff, v5  }
0xac: {  	v21 =	vld [tilespmem:s26+$0xFFFFFFE0]  }
0xad: {  	v6 =	vld [tilespmem:s12+$0x0]  }
0xae: {  	v15 =	vld [tilespmem:s26+$0x10]  }
0xaf: {  	v22 =	vld [tilespmem:s12+$0x20];
	v9 =	vmul.bf16 v10, v9;
	v10 =	vmul.bf16 v12, v11  }
0xb0: {  	v23 =	vld [tilespmem:s26+$0x20];
	v11 =	vmul.bf16 v8, v7;
	v12 =	vmul.bf16 v13, v17  }
0xb1: {  	v8 =	vld [tilespmem:s26+$0xFFFFFFB0]  }
0xb2: {  	v13 =	vmul.bf16 v19, v18;
	v5 =	vld [tilespmem:s12+$0xFFFFFFB0];
	v6 =	vmul.bf16 v14, v6;
	v11 =	vadd.bf16 v11, v12  }
0xb3: {  	v7 =	vld [tilespmem:s12+$0xFFFFFFF0];
	v9 =	vadd.bf16 v10, v9;
	v14 =	vmul.bf16 v21, v20;
	v10 =	vmul.bf16 v15, v16  }
0xb4: {  	v12 =	vld [tilespmem:s26+$0xFFFFFFF0];
	v11 =	vadd.bf16 v13, v11  }
0xb5: {  	s21 =	simm.s32 $0xEE50;
	v9 =	vadd.bf16 v14, v9;
	v14 =	vmul.bf16 v23, v22;
	v13 =	vld [tilespmem:s26+$0x30];
	v6 =	vadd.bf16 v10, v6;
	v15, _, _ =	vpop (xrf2)  }
0xb6: {  	s4 =	simm.s32 $0x63A0;
	v10 =	vld [tilespmem:s12+$0x30];
	s12 =	simm.s32 $0x0;
	[tilespmem:s21+$0x18] =	vst v15  }
.LBB2_5:
0xb7: {  	v15 =	vld [tilespmem:s4+$0x40];
	v5 =	vmul.bf16 v8, v5;
	v6 =	vadd.bf16 v14, v6;
	s26 =	sadd.s32 $0x100, s26  }
0xb8: {  	v8 =	vld [tilespmem:s26+$0x40]  }
0xb9: {  	v14 =	vld [tilespmem:s4+$0x50];
	v5 =	vadd.bf16 v5, v11;
	v7 =	vmul.bf16 v12, v7  }
0xba: {  	s12 =	sadd.s32 $0x4, s12;
	v11 =	vld [tilespmem:s26+$0x50]  }
0xbb: {  	p0 =	slt.u32 s12, $0x4C;
	v12 =	vld [tilespmem:s4+$0x60];
	v16 =	vunpack.i.u.bf16.f32 v5;
	v7 =	vadd.bf16 v7, v9;
	v9 =	vmul.bf16 v13, v10  }
0xbc: {  	v5 =	vunpack.i.l.bf16.f32 v5;
	v10 =	vld [tilespmem:s26+$0x60]  }
0xbd: {  	v13 =	vld [tilespmem:s4+$0x70];
	v17 =	vunpack.i.u.bf16.f32 v7;
	v7 =	vunpack.i.l.bf16.f32 v7;
	v6 =	vadd.bf16 v9, v6  }
0xbe: {  	v5 =	vadd.f32 v5, v16;
	v9 =	vld [tilespmem:s26+$0x70];
	v7 =	vadd.f32 v7, v17  }
0xbf: {  	v8 =	vmul.bf16 v8, v15;
	v16 =	vld [tilespmem:s26+$0xFFFFFF80];
	v11 =	vmul.bf16 v11, v14;
	v14 =	vunpack.i.u.bf16.f32 v6  }
0xc0: {  	v6 =	vunpack.i.l.bf16.f32 v6;
	v15 =	vld [tilespmem:s4+$0xFFFFFF90];
	(xrf2) =	vadd.scan.msk.f32 $0xffff, v5  }
0xc1: {  	v6 =	vadd.f32 v6, v14;
	v5 =	vld [tilespmem:s26+$0xFFFFFF90];
	v8 =	vadd.bf16 v11, v8;
	v10 =	vmul.bf16 v10, v12  }
0xc2: {  	v11 =	vld [tilespmem:s4+$0xFFFFFFC0]  }
0xc3: {  	v12 =	vld [tilespmem:s26+$0xFFFFFFC0];
	v8 =	vadd.bf16 v10, v8;
	v9 =	vmul.bf16 v9, v13;
	(xrf2) =	vadd.scan.msk.f32 $0xffff, v7  }
0xc4: {  	v7 =	vld [tilespmem:s4+$0xFFFFFFD0]  }
0xc5: {  	v10 =	vld [tilespmem:s26+$0xFFFFFFD0];
	v8 =	vadd.bf16 v9, v8  }
0xc6: {  	v5 =	vmul.bf16 v5, v15;
	v9 =	vld [tilespmem:s4+$0x0];
	(xrf2) =	vadd.scan.msk.f32 $0xffff, v6  }
0xc7: {  	v6 =	vld [tilespmem:s26+$0x0];
	v13 =	vunpack.i.u.bf16.f32 v8;
	v8 =	vunpack.i.l.bf16.f32 v8  }
0xc8: {  	v11 =	vmul.bf16 v12, v11;
	v12 =	vld [tilespmem:s4+$0x10];
	v15 =	vadd.f32 v8, v13  }
0xc9: {  	v13 =	vld [tilespmem:s26+$0x10]  }
0xca: {  	v14 =	vld [tilespmem:s4+$0xFFFFFF80];
	v7 =	vmul.bf16 v10, v7;
	(xrf2) =	vadd.scan.msk.f32 $0xffff, v15;
	v8, _, _ =	vpop (xrf2)  }
0xcb: {  	v10 =	vld [tilespmem:s4+$0xFFFFFFA0];
	[tilespmem:s21+$0xFFFFFFD0] =	vst v8  }
0xcc: {  	v8 =	vld [tilespmem:s26+$0xFFFFFFA0];
	v15 =	vadd.bf16 v7, v11;
	v6 =	vmul.bf16 v6, v9  }
0xcd: {  	v7 =	vld [tilespmem:s4+$0xFFFFFFE0];
	v9, _, _ =	vpop (xrf2)  }
0xce: {  	v17 =	vld [tilespmem:s26+$0xFFFFFFE0];
	v12 =	vmul.bf16 v13, v12;
	[tilespmem:s21+$0xFFFFFFE8] =	vst v9  }
0xcf: {  	v9 =	vmul.bf16 v16, v14;
	v13 =	vld [tilespmem:s4+$0x20]  }
0xd0: {  	v6 =	vadd.bf16 v12, v6;
	v14 =	vld [tilespmem:s26+$0x20];
	v11, _, _ =	vpop (xrf2)  }
0xd1: {  	v9 =	vadd.bf16 v5, v9;
	v10 =	vmul.bf16 v8, v10;
	v5 =	vld [tilespmem:s4+$0xFFFFFFB0];
	[tilespmem:s21+$0x0] =	vst v11  }
.Ltmp1:
0xd2: {  	v8 =	vld [tilespmem:s26+$0xFFFFFFB0];
	(pc) =	sbr.rel @p0 .LBB2_5-.Ltmp1, $4  }
0xd3: {  	v11 =	vadd.bf16 v10, v9;
	v9 =	vmul.bf16 v17, v7;
	v7 =	vld [tilespmem:s4+$0xFFFFFFF0]  }
0xd4: {  	s21 =	sadd.s32 $0x60, s21;
	v12 =	vld [tilespmem:s26+$0xFFFFFFF0];
	v16, _, _ =	vpop (xrf2)  }
0xd5: {  	v9 =	vadd.bf16 v9, v15;
	v14 =	vmul.bf16 v14, v13;
	v10 =	vld [tilespmem:s4+$0x30];
	[tilespmem:s21+$0x18] =	vst v16  }
0xd6: {  	s4 =	sadd.s32 $0x100, s4;
	v13 =	vld [tilespmem:s26+$0x30]  }
0xd7: {  	_ =	sdelay $0x1  }
0xd8: {  	v5 =	vmul.bf16 v8, v5  }
0xd9: {  	v7 =	vmul.bf16 v12, v7  }
0xda: {  	v6 =	vadd.bf16 v14, v6;
	v5 =	vadd.bf16 v5, v11;
	v8 =	vmul.bf16 v13, v10  }
0xdb: {  	v7 =	vadd.bf16 v7, v9  }
0xdc: {  	v9 =	vunpack.i.u.bf16.f32 v5;
	v5 =	vunpack.i.l.bf16.f32 v5;
	v6 =	vadd.bf16 v8, v6  }
0xdd: {  	v5 =	vadd.f32 v5, v9;
	v8 =	vunpack.i.u.bf16.f32 v7;
	v7 =	vunpack.i.l.bf16.f32 v7  }
0xde: {  	v7 =	vadd.f32 v7, v8;
	v8 =	vunpack.i.u.bf16.f32 v6;
	v6 =	vunpack.i.l.bf16.f32 v6  }
0xdf: {  	(xrf2) =	vadd.scan.msk.f32 $0xffff, v5;
	v5 =	vadd.f32 v6, v8  }
0xe0: {  	(xrf2) =	vadd.scan.msk.f32 $0xffff, v7  }
0xe1: {  	(xrf2) =	vadd.scan.msk.f32 $0xffff, v5;
	_ =	sdelay $0x7  }
0xe2: {  	v5, _, _ =	vpop (xrf2)  }
0xe3: {  	[tilespmem:s21+$0xFFFFFFD0] =	vst v5;
	v5, _, _ =	vpop (xrf2)  }
0xe4: {  	[tilespmem:s21+$0xFFFFFFE8] =	vst v5;
	v5, _, _ =	vpop (xrf2)  }
0xe5: {  	[tilespmem:s21+$0x0] =	vst v5  }
0xe6: {  	v5 =	vld.idx.msk [tilespmem:v0+s31+$0x0], $0xffff  }
0xe7: {  	v6 =	vld.idx.msk [tilespmem:v1+s31+$0x0], $0xffff  }
0xe8: {  	v7 =	vld.idx.msk [tilespmem:v2+s31+$0x0], $0xffff  }
0xe9: {  	v8 =	vld.idx.msk [tilespmem:v3+s31+$0x0], $0xffff  }
0xea: {  	v9 =	vld.idx.msk [tilespmem:v4+s31+$0x0], $0xffff  }
0xeb: {  	[tilespmem:s24+$0xF5F0] =	vst v5  }
0xec: {  	[tilespmem:s24+$0xF600] =	vst v6  }
0xed: {  	[tilespmem:s24+$0xF610] =	vst v7  }
0xee: {  	p0 =	seq.s32 s23, $0x1E;
	[tilespmem:s24+$0xF620] =	vst v8  }
0xef: {  	s4 =	sadd.s32 @!p0 $0x190, s24;
	s12 =	simm.s32 @!p0 $0x50;
	s21 =	simm.s32 @!p0 $0x6220;
	[tilespmem:s24+$0xF630] =	vst v9  }
0xf0: {  	[tilespmem:s21], [sflag:$0x3] =	stream.indirect.gather @!p0 [spmem:s2], $0x40, s4, s12, $0xb8;
	[tilespmem:$0x1B8F0] =	vst v63  }
0xf1: {  	s4 =	sadd.s32 @!p0 $0x28A0, s24;
	s21 =	simm.s32 @!p0 $0xB220  }
0xf2: {  	[tilespmem:s21], [sflag:$0x7] =	stream.indirect.gather @!p0 [spmem:s2], $0x40, s4, s12, $0xb8;
	[tilespmem:$0x1B8F0] =	vst v63  }
0xf3: {  	_ =	swait.ge [sflag:s17], $0x1400  }
0xf4: {  	[sflag:s17] =	ssyncset.done $0x0  }
0xf5: {  	[sflag:s17] =	ssyncadd.s32 $0xFFFFEC00  }
0xf6: {  	_ =	swait.ge [sflag:s18], $0x1400  }
0xf7: {  	[sflag:s18] =	ssyncset.done $0x0  }
0xf8: {  	s12 =	simm.s32 $0x76A0;
	[sflag:s18] =	ssyncadd.s32 $0xFFFFEC00  }
0xf9: {  	s26 =	simm.s32 $0xC6A0;
	v5 =	vld [tilespmem:s12+$0x40]  }
0xfa: {  	v6 =	vld [tilespmem:s26+$0x40]  }
0xfb: {  	v7 =	vld [tilespmem:s12+$0x50]  }
0xfc: {  	v8 =	vld [tilespmem:s26+$0x50]  }
0xfd: {  	v9 =	vld [tilespmem:s12+$0x60]  }
0xfe: {  	v10 =	vld [tilespmem:s26+$0x60]  }
0xff: {  	v11 =	vld [tilespmem:s12+$0x70]  }
0x100: {  	v12 =	vld [tilespmem:s26+$0x70]  }
0x101: {  	v13 =	vld [tilespmem:s26+$0xFFFFFF80]  }
0x102: {  	v14 =	vld [tilespmem:s26+$0x0];
	v5 =	vmul.bf16 v6, v5;
	v6 =	vmul.bf16 v8, v7  }
0x103: {  	v16 =	vld [tilespmem:s12+$0x10]  }
0x104: {  	v17 =	vld [tilespmem:s12+$0xFFFFFF80];
	v5 =	vadd.bf16 v6, v5;
	v6 =	vmul.bf16 v10, v9  }
0x105: {  	v18 =	vld [tilespmem:s12+$0xFFFFFFA0]  }
0x106: {  	v19 =	vld [tilespmem:s26+$0xFFFFFFA0];
	v5 =	vadd.bf16 v6, v5;
	v6 =	vmul.bf16 v12, v11  }
0x107: {  	v20 =	vld [tilespmem:s12+$0xFFFFFFE0]  }
0x108: {  	v7 =	vld [tilespmem:s12+$0xFFFFFF90];
	v5 =	vadd.bf16 v6, v5  }
0x109: {  	v9 =	vld [tilespmem:s12+$0xFFFFFFC0]  }
0x10a: {  	v10 =	vld [tilespmem:s26+$0xFFFFFFC0];
	v15 =	vunpack.i.u.bf16.f32 v5;
	v5 =	vunpack.i.l.bf16.f32 v5  }
0x10b: {  	v11 =	vld [tilespmem:s12+$0xFFFFFFD0];
	v5 =	vadd.f32 v5, v15  }
0x10c: {  	v12 =	vld [tilespmem:s26+$0xFFFFFFD0]  }
0x10d: {  	v8 =	vld [tilespmem:s26+$0xFFFFFF90];
	(xrf2) =	vadd.scan.msk.f32 $0xffff, v5  }
0x10e: {  	v21 =	vld [tilespmem:s26+$0xFFFFFFE0]  }
0x10f: {  	v6 =	vld [tilespmem:s12+$0x0]  }
0x110: {  	v15 =	vld [tilespmem:s26+$0x10]  }
0x111: {  	v22 =	vld [tilespmem:s12+$0x20];
	v9 =	vmul.bf16 v10, v9;
	v10 =	vmul.bf16 v12, v11  }
0x112: {  	v23 =	vld [tilespmem:s26+$0x20];
	v11 =	vmul.bf16 v8, v7;
	v12 =	vmul.bf16 v13, v17  }
0x113: {  	v8 =	vld [tilespmem:s26+$0xFFFFFFB0]  }
0x114: {  	v13 =	vmul.bf16 v19, v18;
	v5 =	vld [tilespmem:s12+$0xFFFFFFB0];
	v6 =	vmul.bf16 v14, v6;
	v11 =	vadd.bf16 v11, v12  }
0x115: {  	v7 =	vld [tilespmem:s12+$0xFFFFFFF0];
	v9 =	vadd.bf16 v10, v9;
	v14 =	vmul.bf16 v21, v20;
	v10 =	vmul.bf16 v15, v16  }
0x116: {  	v12 =	vld [tilespmem:s26+$0xFFFFFFF0];
	v11 =	vadd.bf16 v13, v11  }
0x117: {  	s21 =	simm.s32 $0xEE50;
	v9 =	vadd.bf16 v14, v9;
	v14 =	vmul.bf16 v23, v22;
	v13 =	vld [tilespmem:s26+$0x30];
	v6 =	vadd.bf16 v10, v6;
	v15, _, _ =	vpop (xrf2)  }
0x118: {  	s4 =	simm.s32 $0x77A0;
	v10 =	vld [tilespmem:s12+$0x30];
	s12 =	simm.s32 $0x0;
	[tilespmem:s21+$0x18] =	vst v15  }
.LBB2_7:
0x119: {  	v15 =	vld [tilespmem:s4+$0x40];
	v5 =	vmul.bf16 v8, v5;
	v6 =	vadd.bf16 v14, v6;
	s26 =	sadd.s32 $0x100, s26  }
0x11a: {  	v8 =	vld [tilespmem:s26+$0x40]  }
0x11b: {  	v14 =	vld [tilespmem:s4+$0x50];
	v5 =	vadd.bf16 v5, v11;
	v7 =	vmul.bf16 v12, v7  }
0x11c: {  	s12 =	sadd.s32 $0x4, s12;
	v11 =	vld [tilespmem:s26+$0x50]  }
0x11d: {  	p1 =	slt.u32 s12, $0x4C;
	v12 =	vld [tilespmem:s4+$0x60];
	v16 =	vunpack.i.u.bf16.f32 v5;
	v7 =	vadd.bf16 v7, v9;
	v9 =	vmul.bf16 v13, v10  }
0x11e: {  	v5 =	vunpack.i.l.bf16.f32 v5;
	v10 =	vld [tilespmem:s26+$0x60]  }
0x11f: {  	v13 =	vld [tilespmem:s4+$0x70];
	v17 =	vunpack.i.u.bf16.f32 v7;
	v7 =	vunpack.i.l.bf16.f32 v7;
	v6 =	vadd.bf16 v9, v6  }
0x120: {  	v5 =	vadd.f32 v5, v16;
	v9 =	vld [tilespmem:s26+$0x70];
	v7 =	vadd.f32 v7, v17  }
0x121: {  	v8 =	vmul.bf16 v8, v15;
	v16 =	vld [tilespmem:s26+$0xFFFFFF80];
	v11 =	vmul.bf16 v11, v14;
	v14 =	vunpack.i.u.bf16.f32 v6  }
0x122: {  	v6 =	vunpack.i.l.bf16.f32 v6;
	v15 =	vld [tilespmem:s4+$0xFFFFFF90];
	(xrf2) =	vadd.scan.msk.f32 $0xffff, v5  }
0x123: {  	v6 =	vadd.f32 v6, v14;
	v5 =	vld [tilespmem:s26+$0xFFFFFF90];
	v8 =	vadd.bf16 v11, v8;
	v10 =	vmul.bf16 v10, v12  }
0x124: {  	v11 =	vld [tilespmem:s4+$0xFFFFFFC0]  }
0x125: {  	v12 =	vld [tilespmem:s26+$0xFFFFFFC0];
	v8 =	vadd.bf16 v10, v8;
	v9 =	vmul.bf16 v9, v13;
	(xrf2) =	vadd.scan.msk.f32 $0xffff, v7  }
0x126: {  	v7 =	vld [tilespmem:s4+$0xFFFFFFD0]  }
0x127: {  	v10 =	vld [tilespmem:s26+$0xFFFFFFD0];
	v8 =	vadd.bf16 v9, v8  }
0x128: {  	v5 =	vmul.bf16 v5, v15;
	v9 =	vld [tilespmem:s4+$0x0];
	(xrf2) =	vadd.scan.msk.f32 $0xffff, v6  }
0x129: {  	v6 =	vld [tilespmem:s26+$0x0];
	v13 =	vunpack.i.u.bf16.f32 v8;
	v8 =	vunpack.i.l.bf16.f32 v8  }
0x12a: {  	v11 =	vmul.bf16 v12, v11;
	v12 =	vld [tilespmem:s4+$0x10];
	v15 =	vadd.f32 v8, v13  }
0x12b: {  	v13 =	vld [tilespmem:s26+$0x10]  }
0x12c: {  	v14 =	vld [tilespmem:s4+$0xFFFFFF80];
	v7 =	vmul.bf16 v10, v7;
	(xrf2) =	vadd.scan.msk.f32 $0xffff, v15;
	v8, _, _ =	vpop (xrf2)  }
0x12d: {  	v10 =	vld [tilespmem:s4+$0xFFFFFFA0];
	[tilespmem:s21+$0xFFFFFFD0] =	vst v8  }
0x12e: {  	v8 =	vld [tilespmem:s26+$0xFFFFFFA0];
	v15 =	vadd.bf16 v7, v11;
	v6 =	vmul.bf16 v6, v9  }
0x12f: {  	v7 =	vld [tilespmem:s4+$0xFFFFFFE0];
	v9, _, _ =	vpop (xrf2)  }
0x130: {  	v17 =	vld [tilespmem:s26+$0xFFFFFFE0];
	v12 =	vmul.bf16 v13, v12;
	[tilespmem:s21+$0xFFFFFFE8] =	vst v9  }
0x131: {  	v9 =	vmul.bf16 v16, v14;
	v13 =	vld [tilespmem:s4+$0x20]  }
0x132: {  	v6 =	vadd.bf16 v12, v6;
	v14 =	vld [tilespmem:s26+$0x20];
	v11, _, _ =	vpop (xrf2)  }
0x133: {  	v9 =	vadd.bf16 v5, v9;
	v10 =	vmul.bf16 v8, v10;
	v5 =	vld [tilespmem:s4+$0xFFFFFFB0];
	[tilespmem:s21+$0x0] =	vst v11  }
.Ltmp2:
0x134: {  	v8 =	vld [tilespmem:s26+$0xFFFFFFB0];
	(pc) =	sbr.rel @p1 .LBB2_7-.Ltmp2, $4  }
0x135: {  	v11 =	vadd.bf16 v10, v9;
	v9 =	vmul.bf16 v17, v7;
	v7 =	vld [tilespmem:s4+$0xFFFFFFF0]  }
0x136: {  	s21 =	sadd.s32 $0x60, s21;
	v12 =	vld [tilespmem:s26+$0xFFFFFFF0];
	v16, _, _ =	vpop (xrf2)  }
0x137: {  	v9 =	vadd.bf16 v9, v15;
	v14 =	vmul.bf16 v14, v13;
	v10 =	vld [tilespmem:s4+$0x30];
	[tilespmem:s21+$0x18] =	vst v16  }
0x138: {  	s4 =	sadd.s32 $0x100, s4;
	v13 =	vld [tilespmem:s26+$0x30]  }
0x139: {  	_ =	sdelay $0x1  }
0x13a: {  	v5 =	vmul.bf16 v8, v5  }
0x13b: {  	v7 =	vmul.bf16 v12, v7  }
0x13c: {  	v6 =	vadd.bf16 v14, v6;
	v5 =	vadd.bf16 v5, v11;
	v8 =	vmul.bf16 v13, v10  }
0x13d: {  	v7 =	vadd.bf16 v7, v9  }
0x13e: {  	v9 =	vunpack.i.u.bf16.f32 v5;
	v5 =	vunpack.i.l.bf16.f32 v5;
	v6 =	vadd.bf16 v8, v6  }
0x13f: {  	v5 =	vadd.f32 v5, v9;
	v8 =	vunpack.i.u.bf16.f32 v7;
	v7 =	vunpack.i.l.bf16.f32 v7  }
0x140: {  	v7 =	vadd.f32 v7, v8;
	v8 =	vunpack.i.u.bf16.f32 v6;
	v6 =	vunpack.i.l.bf16.f32 v6  }
0x141: {  	(xrf2) =	vadd.scan.msk.f32 $0xffff, v5;
	v5 =	vadd.f32 v6, v8  }
0x142: {  	(xrf2) =	vadd.scan.msk.f32 $0xffff, v7  }
0x143: {  	(xrf2) =	vadd.scan.msk.f32 $0xffff, v5;
	_ =	sdelay $0x7  }
0x144: {  	v5, _, _ =	vpop (xrf2)  }
0x145: {  	[tilespmem:s21+$0xFFFFFFD0] =	vst v5;
	v5, _, _ =	vpop (xrf2)  }
0x146: {  	[tilespmem:s21+$0xFFFFFFE8] =	vst v5;
	v5, _, _ =	vpop (xrf2)  }
0x147: {  	[tilespmem:s21+$0x0] =	vst v5  }
0x148: {  	v5 =	vld.idx.msk [tilespmem:v0+s31+$0x0], $0xffff  }
0x149: {  	v6 =	vld.idx.msk [tilespmem:v1+s31+$0x0], $0xffff  }
0x14a: {  	v7 =	vld.idx.msk [tilespmem:v2+s31+$0x0], $0xffff  }
0x14b: {  	v8 =	vld.idx.msk [tilespmem:v3+s31+$0x0], $0xffff  }
0x14c: {  	v9 =	vld.idx.msk [tilespmem:v4+s31+$0x0], $0xffff  }
0x14d: {  	[tilespmem:s24+$0xF640] =	vst v5  }
0x14e: {  	[tilespmem:s24+$0xF650] =	vst v6  }
0x14f: {  	[tilespmem:s24+$0xF660] =	vst v7  }
0x150: {  	[tilespmem:s24+$0xF670] =	vst v8  }
0x151: {  	s4 =	sadd.s32 @!p0 $0x1E0, s24;
	s12 =	simm.s32 @!p0 $0x50;
	s21 =	simm.s32 @!p0 $0x7620;
	[tilespmem:s24+$0xF680] =	vst v9  }
0x152: {  	[tilespmem:s21], [sflag:$0x4] =	stream.indirect.gather @!p0 [spmem:s2], $0x40, s4, s12, $0xb8;
	[tilespmem:$0x1B8F0] =	vst v63  }
0x153: {  	s4 =	sadd.s32 @!p0 $0x28F0, s24;
	s21 =	simm.s32 @!p0 $0xC620  }
0x154: {  	[tilespmem:s21], [sflag:$0x8] =	stream.indirect.gather @!p0 [spmem:s2], $0x40, s4, s12, $0xb8;
	[tilespmem:$0x1B8F0] =	vst v63  }
0x155: {  	_ =	swait.ge [sflag:s19], $0x1400  }
0x156: {  	[sflag:s19] =	ssyncset.done $0x0  }
0x157: {  	[sflag:s19] =	ssyncadd.s32 $0xFFFFEC00  }
0x158: {  	_ =	swait.ge [sflag:s20], $0x1400  }
0x159: {  	[sflag:s20] =	ssyncset.done $0x0  }
0x15a: {  	s12 =	simm.s32 $0x8AA0;
	[sflag:s20] =	ssyncadd.s32 $0xFFFFEC00  }
0x15b: {  	s26 =	simm.s32 $0xDAA0;
	v5 =	vld [tilespmem:s12+$0x40]  }
0x15c: {  	v6 =	vld [tilespmem:s26+$0x40]  }
0x15d: {  	v7 =	vld [tilespmem:s12+$0x50]  }
0x15e: {  	v8 =	vld [tilespmem:s26+$0x50]  }
0x15f: {  	v9 =	vld [tilespmem:s12+$0x60]  }
0x160: {  	v10 =	vld [tilespmem:s26+$0x60]  }
0x161: {  	v11 =	vld [tilespmem:s12+$0x70]  }
0x162: {  	v12 =	vld [tilespmem:s26+$0x70]  }
0x163: {  	v13 =	vld [tilespmem:s26+$0xFFFFFF80]  }
0x164: {  	v14 =	vld [tilespmem:s26+$0x0];
	v5 =	vmul.bf16 v6, v5;
	v6 =	vmul.bf16 v8, v7  }
0x165: {  	v16 =	vld [tilespmem:s12+$0x10]  }
0x166: {  	v17 =	vld [tilespmem:s12+$0xFFFFFF80];
	v5 =	vadd.bf16 v6, v5;
	v6 =	vmul.bf16 v10, v9  }
0x167: {  	v18 =	vld [tilespmem:s12+$0xFFFFFFA0]  }
0x168: {  	v19 =	vld [tilespmem:s26+$0xFFFFFFA0];
	v5 =	vadd.bf16 v6, v5;
	v6 =	vmul.bf16 v12, v11  }
0x169: {  	v20 =	vld [tilespmem:s12+$0xFFFFFFE0]  }
0x16a: {  	v7 =	vld [tilespmem:s12+$0xFFFFFF90];
	v5 =	vadd.bf16 v6, v5  }
0x16b: {  	v9 =	vld [tilespmem:s12+$0xFFFFFFC0]  }
0x16c: {  	v10 =	vld [tilespmem:s26+$0xFFFFFFC0];
	v15 =	vunpack.i.u.bf16.f32 v5;
	v5 =	vunpack.i.l.bf16.f32 v5  }
0x16d: {  	v11 =	vld [tilespmem:s12+$0xFFFFFFD0];
	v5 =	vadd.f32 v5, v15  }
0x16e: {  	v12 =	vld [tilespmem:s26+$0xFFFFFFD0]  }
0x16f: {  	v8 =	vld [tilespmem:s26+$0xFFFFFF90];
	(xrf2) =	vadd.scan.msk.f32 $0xffff, v5  }
0x170: {  	v21 =	vld [tilespmem:s26+$0xFFFFFFE0]  }
0x171: {  	v6 =	vld [tilespmem:s12+$0x0]  }
0x172: {  	v15 =	vld [tilespmem:s26+$0x10]  }
0x173: {  	v22 =	vld [tilespmem:s12+$0x20];
	v9 =	vmul.bf16 v10, v9;
	v10 =	vmul.bf16 v12, v11  }
0x174: {  	v23 =	vld [tilespmem:s26+$0x20];
	v11 =	vmul.bf16 v8, v7;
	v12 =	vmul.bf16 v13, v17  }
0x175: {  	v8 =	vld [tilespmem:s26+$0xFFFFFFB0]  }
0x176: {  	v13 =	vmul.bf16 v19, v18;
	v5 =	vld [tilespmem:s12+$0xFFFFFFB0];
	v6 =	vmul.bf16 v14, v6;
	v11 =	vadd.bf16 v11, v12  }
0x177: {  	v7 =	vld [tilespmem:s12+$0xFFFFFFF0];
	v9 =	vadd.bf16 v10, v9;
	v14 =	vmul.bf16 v21, v20;
	v10 =	vmul.bf16 v15, v16  }
0x178: {  	v12 =	vld [tilespmem:s26+$0xFFFFFFF0];
	v11 =	vadd.bf16 v13, v11  }
0x179: {  	s21 =	simm.s32 $0xEE50;
	v9 =	vadd.bf16 v14, v9;
	v14 =	vmul.bf16 v23, v22;
	v13 =	vld [tilespmem:s26+$0x30];
	v6 =	vadd.bf16 v10, v6;
	v15, _, _ =	vpop (xrf2)  }
0x17a: {  	s4 =	simm.s32 $0x8BA0;
	v10 =	vld [tilespmem:s12+$0x30];
	s12 =	simm.s32 $0x0;
	[tilespmem:s21+$0x18] =	vst v15  }
.LBB2_9:
0x17b: {  	v15 =	vld [tilespmem:s4+$0x40];
	v5 =	vmul.bf16 v8, v5;
	v6 =	vadd.bf16 v14, v6;
	s26 =	sadd.s32 $0x100, s26  }
0x17c: {  	v8 =	vld [tilespmem:s26+$0x40]  }
0x17d: {  	v14 =	vld [tilespmem:s4+$0x50];
	v5 =	vadd.bf16 v5, v11;
	v7 =	vmul.bf16 v12, v7  }
0x17e: {  	s12 =	sadd.s32 $0x4, s12;
	v11 =	vld [tilespmem:s26+$0x50]  }
0x17f: {  	p1 =	slt.u32 s12, $0x4C;
	v12 =	vld [tilespmem:s4+$0x60];
	v16 =	vunpack.i.u.bf16.f32 v5;
	v7 =	vadd.bf16 v7, v9;
	v9 =	vmul.bf16 v13, v10  }
0x180: {  	v5 =	vunpack.i.l.bf16.f32 v5;
	v10 =	vld [tilespmem:s26+$0x60]  }
0x181: {  	v13 =	vld [tilespmem:s4+$0x70];
	v17 =	vunpack.i.u.bf16.f32 v7;
	v7 =	vunpack.i.l.bf16.f32 v7;
	v6 =	vadd.bf16 v9, v6  }
0x182: {  	v5 =	vadd.f32 v5, v16;
	v9 =	vld [tilespmem:s26+$0x70];
	v7 =	vadd.f32 v7, v17  }
0x183: {  	v8 =	vmul.bf16 v8, v15;
	v16 =	vld [tilespmem:s26+$0xFFFFFF80];
	v11 =	vmul.bf16 v11, v14;
	v14 =	vunpack.i.u.bf16.f32 v6  }
0x184: {  	v6 =	vunpack.i.l.bf16.f32 v6;
	v15 =	vld [tilespmem:s4+$0xFFFFFF90];
	(xrf2) =	vadd.scan.msk.f32 $0xffff, v5  }
0x185: {  	v6 =	vadd.f32 v6, v14;
	v5 =	vld [tilespmem:s26+$0xFFFFFF90];
	v8 =	vadd.bf16 v11, v8;
	v10 =	vmul.bf16 v10, v12  }
0x186: {  	v11 =	vld [tilespmem:s4+$0xFFFFFFC0]  }
0x187: {  	v12 =	vld [tilespmem:s26+$0xFFFFFFC0];
	v8 =	vadd.bf16 v10, v8;
	v9 =	vmul.bf16 v9, v13;
	(xrf2) =	vadd.scan.msk.f32 $0xffff, v7  }
0x188: {  	v7 =	vld [tilespmem:s4+$0xFFFFFFD0]  }
0x189: {  	v10 =	vld [tilespmem:s26+$0xFFFFFFD0];
	v8 =	vadd.bf16 v9, v8  }
0x18a: {  	v5 =	vmul.bf16 v5, v15;
	v9 =	vld [tilespmem:s4+$0x0];
	(xrf2) =	vadd.scan.msk.f32 $0xffff, v6  }
0x18b: {  	v6 =	vld [tilespmem:s26+$0x0];
	v13 =	vunpack.i.u.bf16.f32 v8;
	v8 =	vunpack.i.l.bf16.f32 v8  }
0x18c: {  	v11 =	vmul.bf16 v12, v11;
	v12 =	vld [tilespmem:s4+$0x10];
	v15 =	vadd.f32 v8, v13  }
0x18d: {  	v13 =	vld [tilespmem:s26+$0x10]  }
0x18e: {  	v14 =	vld [tilespmem:s4+$0xFFFFFF80];
	v7 =	vmul.bf16 v10, v7;
	(xrf2) =	vadd.scan.msk.f32 $0xffff, v15;
	v8, _, _ =	vpop (xrf2)  }
0x18f: {  	v10 =	vld [tilespmem:s4+$0xFFFFFFA0];
	[tilespmem:s21+$0xFFFFFFD0] =	vst v8  }
0x190: {  	v8 =	vld [tilespmem:s26+$0xFFFFFFA0];
	v15 =	vadd.bf16 v7, v11;
	v6 =	vmul.bf16 v6, v9  }
0x191: {  	v7 =	vld [tilespmem:s4+$0xFFFFFFE0];
	v9, _, _ =	vpop (xrf2)  }
0x192: {  	v17 =	vld [tilespmem:s26+$0xFFFFFFE0];
	v12 =	vmul.bf16 v13, v12;
	[tilespmem:s21+$0xFFFFFFE8] =	vst v9  }
0x193: {  	v9 =	vmul.bf16 v16, v14;
	v13 =	vld [tilespmem:s4+$0x20]  }
0x194: {  	v6 =	vadd.bf16 v12, v6;
	v14 =	vld [tilespmem:s26+$0x20];
	v11, _, _ =	vpop (xrf2)  }
0x195: {  	v9 =	vadd.bf16 v5, v9;
	v10 =	vmul.bf16 v8, v10;
	v5 =	vld [tilespmem:s4+$0xFFFFFFB0];
	[tilespmem:s21+$0x0] =	vst v11  }
.Ltmp3:
0x196: {  	v8 =	vld [tilespmem:s26+$0xFFFFFFB0];
	(pc) =	sbr.rel @p1 .LBB2_9-.Ltmp3, $4  }
0x197: {  	v11 =	vadd.bf16 v10, v9;
	v9 =	vmul.bf16 v17, v7;
	v7 =	vld [tilespmem:s4+$0xFFFFFFF0]  }
0x198: {  	s21 =	sadd.s32 $0x60, s21;
	v12 =	vld [tilespmem:s26+$0xFFFFFFF0];
	v16, _, _ =	vpop (xrf2)  }
0x199: {  	v9 =	vadd.bf16 v9, v15;
	v14 =	vmul.bf16 v14, v13;
	v10 =	vld [tilespmem:s4+$0x30];
	[tilespmem:s21+$0x18] =	vst v16  }
0x19a: {  	s4 =	sadd.s32 $0x100, s4;
	v13 =	vld [tilespmem:s26+$0x30]  }
0x19b: {  	_ =	sdelay $0x1  }
0x19c: {  	v5 =	vmul.bf16 v8, v5  }
0x19d: {  	v7 =	vmul.bf16 v12, v7  }
0x19e: {  	v6 =	vadd.bf16 v14, v6;
	v5 =	vadd.bf16 v5, v11;
	v58 =	vmul.bf16 v13, v10  }
0x19f: {  	v7 =	vadd.bf16 v7, v9  }
0x1a0: {  	v59 =	vunpack.i.u.bf16.f32 v5;
	v5 =	vunpack.i.l.bf16.f32 v5;
	v6 =	vadd.bf16 v58, v6  }
0x1a1: {  	v5 =	vadd.f32 v5, v59;
	v60 =	vunpack.i.u.bf16.f32 v7;
	v7 =	vunpack.i.l.bf16.f32 v7  }
0x1a2: {  	v7 =	vadd.f32 v7, v60;
	v61 =	vunpack.i.u.bf16.f32 v6;
	v6 =	vunpack.i.l.bf16.f32 v6  }
0x1a3: {  	(xrf2) =	vadd.scan.msk.f32 $0xffff, v5;
	v5 =	vadd.f32 v6, v61  }
0x1a4: {  	(xrf2) =	vadd.scan.msk.f32 $0xffff, v7  }
0x1a5: {  	(xrf2) =	vadd.scan.msk.f32 $0xffff, v5;
	_ =	sdelay $0x7  }
0x1a6: {  	v5, _, _ =	vpop (xrf2)  }
0x1a7: {  	[tilespmem:s21+$0xFFFFFFD0] =	vst v5;
	v5, _, _ =	vpop (xrf2)  }
0x1a8: {  	[tilespmem:s21+$0xFFFFFFE8] =	vst v5;
	v5, _, _ =	vpop (xrf2)  }
0x1a9: {  	[tilespmem:s21+$0x0] =	vst v5  }
0x1aa: {  	v5 =	vld.idx.msk [tilespmem:v0+s31+$0x0], $0xffff  }
0x1ab: {  	v6 =	vld.idx.msk [tilespmem:v1+s31+$0x0], $0xffff  }
0x1ac: {  	v7 =	vld.idx.msk [tilespmem:v2+s31+$0x0], $0xffff  }
0x1ad: {  	v62 =	vld.idx.msk [tilespmem:v3+s31+$0x0], $0xffff  }
0x1ae: {  	v63 =	vld.idx.msk [tilespmem:v4+s31+$0x0], $0xffff  }
.Ltmp4:
0x1af: {  	[tilespmem:s24+$0xF690] =	vst v5;
	(pc) =	sbr.rel @p0 .LBB2_12-.Ltmp4, $4  }
0x1b0: {  	[tilespmem:s24+$0xF6A0] =	vst v6  }
0x1b1: {  	[tilespmem:s24+$0xF6B0] =	vst v7  }
0x1b2: {  	[tilespmem:s24+$0xF6C0] =	vst v62  }
0x1b3: {  	[tilespmem:s24+$0xF6D0] =	vst v63  }
.Ltmp5:
0x1b4: {  	(pc) =	sbr.rel .LBB2_2-.Ltmp5, $4  }
0x1b5: {  	s4 =	sadd.s32 $0x230, s24  }
0x1b6: {  	[tilespmem:s25], [sflag:$0x5] =	stream.indirect.gather [spmem:s2], $0x40, s4, s14, $0xb8;
	[tilespmem:$0x1B8F0] =	vst v63  }
0x1b7: {  	s26 =	sadd.s32 $0x2940, s24;
	s23 =	sadd.s32 $0x1, s23  }
0x1b8: {  	[tilespmem:s28], [sflag:$0x9] =	stream.indirect.gather [spmem:s2], $0x40, s26, s14, $0xb8;
	[tilespmem:$0x1B8F0] =	vst v63  }
.LBB2_12:
0x1b9: {  	_ =	swait.ge [sflag:s29], $0x1400  }
0x1ba: {  	[sflag:s29] =	ssyncset.done $0x0  }
0x1bb: {  	[sflag:s29] =	ssyncadd.s32 $0xFFFFEC00  }
0x1bc: {  	_ =	swait.ge [sflag:s30], $0x1400  }
0x1bd: {  	[sflag:s30] =	ssyncset.done $0x0  }
0x1be: {  	s4 =	simm.s32 $0x4EA0;
	[sflag:s30] =	ssyncadd.s32 $0xFFFFEC00  }
0x1bf: {  	s23 =	simm.s32 $0x9EA0;
	v5 =	vld [tilespmem:s4+$0x40]  }
0x1c0: {  	v6 =	vld [tilespmem:s23+$0x40]  }
0x1c1: {  	v7 =	vld [tilespmem:s4+$0x50]  }
0x1c2: {  	v8 =	vld [tilespmem:s23+$0x50]  }
0x1c3: {  	v9 =	vld [tilespmem:s4+$0x60]  }
0x1c4: {  	v10 =	vld [tilespmem:s23+$0x60]  }
0x1c5: {  	v11 =	vld [tilespmem:s4+$0x70]  }
0x1c6: {  	v12 =	vld [tilespmem:s23+$0x70]  }
0x1c7: {  	v13 =	vld [tilespmem:s23+$0xFFFFFF80]  }
0x1c8: {  	v14 =	vld [tilespmem:s23+$0x0];
	v5 =	vmul.bf16 v6, v5;
	v6 =	vmul.bf16 v8, v7  }
0x1c9: {  	v16 =	vld [tilespmem:s4+$0x10]  }
0x1ca: {  	v17 =	vld [tilespmem:s4+$0xFFFFFF80];
	v5 =	vadd.bf16 v6, v5;
	v6 =	vmul.bf16 v10, v9  }
0x1cb: {  	v18 =	vld [tilespmem:s4+$0xFFFFFFA0]  }
0x1cc: {  	v19 =	vld [tilespmem:s23+$0xFFFFFFA0];
	v5 =	vadd.bf16 v6, v5;
	v6 =	vmul.bf16 v12, v11  }
0x1cd: {  	v20 =	vld [tilespmem:s4+$0xFFFFFFE0]  }
0x1ce: {  	v7 =	vld [tilespmem:s4+$0xFFFFFF90];
	v5 =	vadd.bf16 v6, v5  }
0x1cf: {  	v9 =	vld [tilespmem:s4+$0xFFFFFFC0]  }
0x1d0: {  	v10 =	vld [tilespmem:s23+$0xFFFFFFC0];
	v15 =	vunpack.i.u.bf16.f32 v5;
	v5 =	vunpack.i.l.bf16.f32 v5  }
0x1d1: {  	v11 =	vld [tilespmem:s4+$0xFFFFFFD0];
	v5 =	vadd.f32 v5, v15  }
0x1d2: {  	v12 =	vld [tilespmem:s23+$0xFFFFFFD0]  }
0x1d3: {  	v8 =	vld [tilespmem:s23+$0xFFFFFF90];
	(xrf2) =	vadd.scan.msk.f32 $0xffff, v5  }
0x1d4: {  	v21 =	vld [tilespmem:s23+$0xFFFFFFE0]  }
0x1d5: {  	v6 =	vld [tilespmem:s4+$0x0]  }
0x1d6: {  	v15 =	vld [tilespmem:s23+$0x10]  }
0x1d7: {  	v22 =	vld [tilespmem:s4+$0x20];
	v9 =	vmul.bf16 v10, v9;
	v10 =	vmul.bf16 v12, v11  }
0x1d8: {  	v23 =	vld [tilespmem:s23+$0x20];
	v11 =	vmul.bf16 v8, v7;
	v12 =	vmul.bf16 v13, v17  }
0x1d9: {  	v8 =	vld [tilespmem:s23+$0xFFFFFFB0]  }
0x1da: {  	v13 =	vmul.bf16 v19, v18;
	v5 =	vld [tilespmem:s4+$0xFFFFFFB0];
	v6 =	vmul.bf16 v14, v6;
	v11 =	vadd.bf16 v11, v12  }
0x1db: {  	v7 =	vld [tilespmem:s4+$0xFFFFFFF0];
	v9 =	vadd.bf16 v10, v9;
	v14 =	vmul.bf16 v21, v20;
	v10 =	vmul.bf16 v15, v16  }
0x1dc: {  	v12 =	vld [tilespmem:s23+$0xFFFFFFF0];
	v11 =	vadd.bf16 v13, v11  }
0x1dd: {  	s21 =	simm.s32 $0xEE50;
	v9 =	vadd.bf16 v14, v9;
	v14 =	vmul.bf16 v23, v22;
	v13 =	vld [tilespmem:s23+$0x30];
	v6 =	vadd.bf16 v10, v6;
	v15, _, _ =	vpop (xrf2)  }
0x1de: {  	s12 =	simm.s32 $0x0;
	v10 =	vld [tilespmem:s4+$0x30];
	s4 =	simm.s32 $0x4FA0;
	[tilespmem:s21+$0x18] =	vst v15  }
.LBB2_13:
0x1df: {  	v15 =	vld [tilespmem:s4+$0x40];
	v5 =	vmul.bf16 v8, v5;
	v6 =	vadd.bf16 v14, v6;
	s23 =	sadd.s32 $0x100, s23  }
0x1e0: {  	v8 =	vld [tilespmem:s23+$0x40]  }
0x1e1: {  	v14 =	vld [tilespmem:s4+$0x50];
	v5 =	vadd.bf16 v5, v11;
	v7 =	vmul.bf16 v12, v7  }
0x1e2: {  	s12 =	sadd.s32 $0x4, s12;
	v11 =	vld [tilespmem:s23+$0x50]  }
0x1e3: {  	p0 =	slt.u32 s12, $0x4C;
	v12 =	vld [tilespmem:s4+$0x60];
	v16 =	vunpack.i.u.bf16.f32 v5;
	v7 =	vadd.bf16 v7, v9;
	v9 =	vmul.bf16 v13, v10  }
0x1e4: {  	v5 =	vunpack.i.l.bf16.f32 v5;
	v10 =	vld [tilespmem:s23+$0x60]  }
0x1e5: {  	v13 =	vld [tilespmem:s4+$0x70];
	v17 =	vunpack.i.u.bf16.f32 v7;
	v7 =	vunpack.i.l.bf16.f32 v7;
	v6 =	vadd.bf16 v9, v6  }
0x1e6: {  	v5 =	vadd.f32 v5, v16;
	v9 =	vld [tilespmem:s23+$0x70];
	v7 =	vadd.f32 v7, v17  }
0x1e7: {  	v8 =	vmul.bf16 v8, v15;
	v16 =	vld [tilespmem:s23+$0xFFFFFF80];
	v11 =	vmul.bf16 v11, v14;
	v14 =	vunpack.i.u.bf16.f32 v6  }
0x1e8: {  	v6 =	vunpack.i.l.bf16.f32 v6;
	v15 =	vld [tilespmem:s4+$0xFFFFFF90];
	(xrf2) =	vadd.scan.msk.f32 $0xffff, v5  }
0x1e9: {  	v6 =	vadd.f32 v6, v14;
	v5 =	vld [tilespmem:s23+$0xFFFFFF90];
	v8 =	vadd.bf16 v11, v8;
	v10 =	vmul.bf16 v10, v12  }
0x1ea: {  	v11 =	vld [tilespmem:s4+$0xFFFFFFC0]  }
0x1eb: {  	v12 =	vld [tilespmem:s23+$0xFFFFFFC0];
	v8 =	vadd.bf16 v10, v8;
	v9 =	vmul.bf16 v9, v13;
	(xrf2) =	vadd.scan.msk.f32 $0xffff, v7  }
0x1ec: {  	v7 =	vld [tilespmem:s4+$0xFFFFFFD0]  }
0x1ed: {  	v10 =	vld [tilespmem:s23+$0xFFFFFFD0];
	v8 =	vadd.bf16 v9, v8  }
0x1ee: {  	v5 =	vmul.bf16 v5, v15;
	v9 =	vld [tilespmem:s4+$0x0];
	(xrf2) =	vadd.scan.msk.f32 $0xffff, v6  }
0x1ef: {  	v6 =	vld [tilespmem:s23+$0x0];
	v13 =	vunpack.i.u.bf16.f32 v8;
	v8 =	vunpack.i.l.bf16.f32 v8  }
0x1f0: {  	v11 =	vmul.bf16 v12, v11;
	v12 =	vld [tilespmem:s4+$0x10];
	v15 =	vadd.f32 v8, v13  }
0x1f1: {  	v13 =	vld [tilespmem:s23+$0x10]  }
0x1f2: {  	v14 =	vld [tilespmem:s4+$0xFFFFFF80];
	v7 =	vmul.bf16 v10, v7;
	(xrf2) =	vadd.scan.msk.f32 $0xffff, v15;
	v8, _, _ =	vpop (xrf2)  }
0x1f3: {  	v10 =	vld [tilespmem:s4+$0xFFFFFFA0];
	[tilespmem:s21+$0xFFFFFFD0] =	vst v8  }
0x1f4: {  	v8 =	vld [tilespmem:s23+$0xFFFFFFA0];
	v15 =	vadd.bf16 v7, v11;
	v6 =	vmul.bf16 v6, v9  }
0x1f5: {  	v7 =	vld [tilespmem:s4+$0xFFFFFFE0];
	v9, _, _ =	vpop (xrf2)  }
0x1f6: {  	v17 =	vld [tilespmem:s23+$0xFFFFFFE0];
	v12 =	vmul.bf16 v13, v12;
	[tilespmem:s21+$0xFFFFFFE8] =	vst v9  }
0x1f7: {  	v9 =	vmul.bf16 v16, v14;
	v13 =	vld [tilespmem:s4+$0x20]  }
0x1f8: {  	v6 =	vadd.bf16 v12, v6;
	v14 =	vld [tilespmem:s23+$0x20];
	v11, _, _ =	vpop (xrf2)  }
0x1f9: {  	v9 =	vadd.bf16 v5, v9;
	v10 =	vmul.bf16 v8, v10;
	v5 =	vld [tilespmem:s4+$0xFFFFFFB0];
	[tilespmem:s21+$0x0] =	vst v11  }
.Ltmp6:
0x1fa: {  	v8 =	vld [tilespmem:s23+$0xFFFFFFB0];
	(pc) =	sbr.rel @p0 .LBB2_13-.Ltmp6, $4  }
0x1fb: {  	v11 =	vadd.bf16 v10, v9;
	v9 =	vmul.bf16 v17, v7;
	v7 =	vld [tilespmem:s4+$0xFFFFFFF0]  }
0x1fc: {  	s21 =	sadd.s32 $0x60, s21;
	v12 =	vld [tilespmem:s23+$0xFFFFFFF0];
	v16, _, _ =	vpop (xrf2)  }
0x1fd: {  	v9 =	vadd.bf16 v9, v15;
	v14 =	vmul.bf16 v14, v13;
	v10 =	vld [tilespmem:s4+$0x30];
	[tilespmem:s21+$0x18] =	vst v16  }
0x1fe: {  	s4 =	sadd.s32 $0x100, s4;
	v13 =	vld [tilespmem:s23+$0x30]  }
0x1ff: {  	_ =	sdelay $0x1  }
0x200: {  	v5 =	vmul.bf16 v8, v5  }
0x201: {  	v7 =	vmul.bf16 v12, v7  }
0x202: {  	v6 =	vadd.bf16 v14, v6;
	v5 =	vadd.bf16 v5, v11;
	v58 =	vmul.bf16 v13, v10  }
0x203: {  	v7 =	vadd.bf16 v7, v9  }
0x204: {  	v59 =	vunpack.i.u.bf16.f32 v5;
	v5 =	vunpack.i.l.bf16.f32 v5;
	v6 =	vadd.bf16 v58, v6  }
0x205: {  	v5 =	vadd.f32 v5, v59;
	v60 =	vunpack.i.u.bf16.f32 v7;
	v7 =	vunpack.i.l.bf16.f32 v7  }
0x206: {  	v7 =	vadd.f32 v7, v60;
	v61 =	vunpack.i.u.bf16.f32 v6;
	v6 =	vunpack.i.l.bf16.f32 v6  }
0x207: {  	(xrf2) =	vadd.scan.msk.f32 $0xffff, v5;
	v5 =	vadd.f32 v6, v61  }
0x208: {  	(xrf2) =	vadd.scan.msk.f32 $0xffff, v7  }
0x209: {  	(xrf2) =	vadd.scan.msk.f32 $0xffff, v5;
	_ =	sdelay $0x7  }
0x20a: {  	v5, _, _ =	vpop (xrf2)  }
0x20b: {  	[tilespmem:s21+$0xFFFFFFD0] =	vst v5;
	v5, _, _ =	vpop (xrf2)  }
0x20c: {  	[tilespmem:s21+$0xFFFFFFE8] =	vst v5;
	v5, _, _ =	vpop (xrf2)  }
0x20d: {  	[tilespmem:s21+$0x0] =	vst v5  }
0x20e: {  	v5 =	vld.idx.msk [tilespmem:v0+s31+$0x0], $0xffff  }
0x20f: {  	v6 =	vld.idx.msk [tilespmem:v1+s31+$0x0], $0xffff  }
0x210: {  	v7 =	vld.idx.msk [tilespmem:v2+s31+$0x0], $0xffff  }
0x211: {  	v62 =	vld.idx.msk [tilespmem:v3+s31+$0x0], $0xffff  }
0x212: {  	v63 =	vld.idx.msk [tilespmem:v4+s31+$0x0], $0xffff  }
0x213: {  	[tilespmem:$0x11C60] =	vst v5  }
0x214: {  	[tilespmem:$0x11C70] =	vst v6  }
0x215: {  	s22 =	sadd.s32 $0x1, s22;
	[tilespmem:$0x11C80] =	vst v7  }
0x216: {  	p0 =	sne.s32 s22, s9;
	[tilespmem:$0x11C90] =	vst v62  }
.Ltmp7:
0x217: {  	s4 =	simm.s32 $0xF5A0;
	[tilespmem:$0x11CA0] =	vst v63;
	(pc) =	sbr.rel @p0 .LBB2_1-.Ltmp7, $4  }
0x218: {  	[hbm4b:s8+s3] =	stream.linear.scatter [tilespmem:s4], [sflag:$0xA], $0x2710, $0x38;
	[tilespmem:$0x1B8F0] =	vst v63  }
0x219: {  	_ =	swait.ge [sflag:s11], $0x2710  }
0x21a: {  	[sflag:s11] =	ssyncset.done $0x0  }
0x21b: {  	[sflag:s11] =	ssyncadd.s32 $0xFFFFD8F0  }
0x21c: {  	_ =	sfence.sel $0x180000  }
0x21d: {  	[bflag:$0x0] =	sbarrier.arrive $0xFFFF  }
0x21e: {  	_ =	strace $0x90000047  }
0x21f: {  	s0 =	stileid.u32;
	[bflag:$0x2] =	sbarrier.arrive $0xFFFF  }
0x220: {  	p0 =	sne.s32 s0, $0x0;
	s0 =	rddreg [dreg:$0x4]  }
0x221: {  	s0 =	sadd.s32 @!p0 $0x100000, s0  }
0x222: {  	[sflag:s0] =	ssyncadd.tile.s32 @!p0 $0x1;
	_ =	shalt  }
.Lfunc_end2:
_tile_overlayer_lowered:
.L_overlay_start_2:
0x223: {  	(tag) =	ssettag $0x2  }
0x224: {  	s0 =	rddreg [dreg:$0x0];
	s2 =	stileid.u32  }
0x225: {  	s1 =	rddreg [dreg:$0x1];
	p0 =	sne.s32 s2, $0x0  }
0x226: {  	s3 =	rddreg [dreg:$0x2];
	[bflag:$0x3] =	sbarrier.arrive $0xFFFF;
	s2 =	simm.s32 @!p0 $0x1C0A  }
0x227: {  	[timem:s3], [sflag:s2] =	dma.local @!p0 [hbm:s0], s1  }
0x228: {  	s0 =	simm.s32 @!p0 $0xA  }
0x229: {  	_ =	swait.ge @!p0 [sflag:s0], s1  }
0x22a: {  	s1 =	ssub.s32 @!p0 $0x0, s1;
	[sflag:s0] =	ssyncset.done @!p0 $0x0  }
0x22b: {  	[sflag:s0] =	ssyncadd.s32 @!p0 s1  }
0x22c: {  	[bflag:$0x3] =	sbarrier.arrive $0xFFFF  }
0x22d: {  	_ =	shalt  }

</sc_bundles>
